<compile_context>
chip_gen: v7x
topology: tpu7x:2x2x1
jax: 0.10.2.dev20260603
libtpu: 0.0.44.dev20260713+nightly
codegen_flags: <defaults>
</compile_context>

<pallas_src>
import functools

import jax
import jax.numpy as jnp
from jax import lax
from jax.experimental import pallas as pl
from jax.experimental.pallas import tpu as pltpu
from jax.experimental.pallas import tpu_sc as plsc

_EMB = 128
_CHUNK = 128
_NBUF = 4
_LEAD = 2


def _make_sc_kernel(R):
    info = plsc.get_sparse_core_info()
    NC, NS, L = info.num_cores, info.num_subcores, info.num_lanes
    NW = NC * NS
    assert R % (NW * _CHUNK * _NBUF) == 0
    rows_per_w = R // NW
    nchunks = rows_per_w // _CHUNK
    mesh = plsc.VectorSubcoreMesh(core_axis_name="c", subcore_axis_name="s")

    @functools.partial(
        pl.kernel,
        mesh=mesh,
        out_type=jax.ShapeDtypeStruct((2 * R, _EMB), jnp.float32),
        scratch_types=[
            pltpu.VMEM((rows_per_w,), jnp.int32),
            pltpu.VMEM((_NBUF, _CHUNK, _EMB), jnp.float32),
            pltpu.VMEM((_CHUNK, _EMB), jnp.float32),
            pltpu.VMEM((_NBUF, _CHUNK), jnp.int32),
            pltpu.VMEM((_NBUF, _CHUNK), jnp.int32),
        ]
        + [pltpu.SemaphoreType.DMA] * (3 * _NBUF),
    )
    def sc_kernel(q_hbm, a_hbm, out_hbm, ansbuf, qbuf, zbuf, idxq, idxz, *sems):
        gsem = sems[:_NBUF]
        qsem = sems[_NBUF:2 * _NBUF]
        zsem = sems[2 * _NBUF:]
        wid = lax.axis_index("s") * NC + lax.axis_index("c")
        base = wid * rows_per_w
        pltpu.sync_copy(a_hbm.at[pl.ds(base, rows_per_w)], ansbuf)

        zero16 = jnp.zeros((L,), jnp.float32)

        def zrow(i, carry):
            for j in range(_EMB // L):
                zbuf[i, pl.ds(j * L, L)] = zero16
            return carry

        lax.fori_loop(0, _CHUNK, zrow, 0)

        iota = lax.iota(jnp.int32, L)

        def start_gather(c, slot):
            r0 = base + c * _CHUNK
            pltpu.async_copy(q_hbm.at[pl.ds(r0, _CHUNK)], qbuf.at[slot], gsem[slot])

        def wait_gather(c, slot):
            r0 = base + c * _CHUNK
            pltpu.make_async_copy(
                q_hbm.at[pl.ds(r0, _CHUNK)], qbuf.at[slot], gsem[slot]
            ).wait()

        def start_scatters(slot):
            pltpu.async_copy(qbuf.at[slot], out_hbm.at[idxq.at[slot]], qsem[slot])
            pltpu.async_copy(zbuf, out_hbm.at[idxz.at[slot]], zsem[slot])

        def wait_scatters(slot):
            pltpu.make_async_copy(
                qbuf.at[slot], out_hbm.at[idxq.at[slot]], qsem[slot]
            ).wait()
            pltpu.make_async_copy(
                zbuf, out_hbm.at[idxz.at[slot]], zsem[slot]
            ).wait()

        for b in range(_LEAD):
            start_gather(jnp.int32(b), b)

        def outer(c0, carry):
            for b in range(_NBUF):
                c = c0 * _NBUF + b
                bnext = (b + _LEAD) % _NBUF

                @pl.when(c >= _NBUF - _LEAD)
                def _():
                    wait_scatters(bnext)

                @pl.when(c + _LEAD < nchunks)
                def _():
                    start_gather(c + _LEAD, bnext)

                wait_gather(c, b)
                r0 = base + c * _CHUNK
                for j in range(_CHUNK // L):
                    a = ansbuf[pl.ds(c * _CHUNK + j * L, L)]
                    rowv = 2 * ((r0 + j * L) + iota)
                    idxq[b, pl.ds(j * L, L)] = rowv + 1 - a
                    idxz[b, pl.ds(j * L, L)] = rowv + a
                start_scatters(b)
            return carry

        lax.fori_loop(0, nchunks // _NBUF, outer, 0)

        for b in range(_NBUF - _LEAD, _NBUF):
            last = nchunks - _NBUF + b
            wait_scatters(last % _NBUF)

    return sc_kernel


def kernel(ques_emb, pad_answer, transform_matrix):
    B, H, D = ques_emb.shape
    R = B * H
    q2 = ques_emb.reshape(R, D)
    a2 = pad_answer.astype(jnp.int32).reshape(R)
    out2 = _make_sc_kernel(R)(q2, a2)
    return out2.reshape(B, H, 2 * D)

# --- scband reference (transcript-rebuilt; emitter-appended) ---
"""Pipeline reference for scband-fusion-module-34411277975927 (READ-ONLY COPY).

The authoritative reference and input builder live on the scoring server;
editing this copy changes nothing except your own understanding.
"""

import jax, jax.numpy as jnp
import numpy as np

EMB_DIM = 128
BATCH = 4096
HIST = 200

def _make_transform_matrix():
    tm = np.zeros((2, EMB_DIM * 2), dtype=np.float32)
    tm[0, EMB_DIM:] = 1.0
    tm[1, :EMB_DIM] = 1.0
    return jnp.asarray(tm)

def setup_inputs(seed: int = 0) -> dict:
    key = jax.random.key(seed)
    k1, k2 = jax.random.split(key)
    ques_emb = jax.random.normal(k1, (BATCH, HIST, EMB_DIM), dtype=jnp.float32)
    pad_answer = jax.random.randint(k2, (BATCH, HIST), 0, 2, dtype=jnp.int64)
    transform_matrix = _make_transform_matrix()
    return {"ques_emb": ques_emb, "pad_answer": pad_answer, "transform_matrix": transform_matrix}

def reference(ques_emb, pad_answer, transform_matrix):
    ques = jnp.concatenate((ques_emb, ques_emb), axis=-1)
    answer_emb = jnp.take(transform_matrix, pad_answer, axis=0)
    input_emb = ques * answer_emb
    return input_emb

if __name__ == "__main__":
    import jax
    _d = setup_inputs()
    print(jax.jit(kernel)(*tuple(_d.values())))

</pallas_src>

<mosaic_0001>
#map = affine_map<(d0, d1) -> (0, 0)>
#map1 = affine_map<(d0, d1) -> (0)>
module attributes {stable_mosaic.version = 14 : i64} {
  func.func @sc_kernel(%arg0: i32, %arg1: i32, %arg2: memref<819200x128xf32, #tpu.memory_space<hbm>>, %arg3: memref<819200xi32, #tpu.memory_space<hbm>>, %arg4: memref<1638400x128xf32, #tpu.memory_space<hbm>>, %arg5: memref<25600xi32, #tpu.memory_space<vmem>>, %arg6: memref<4x128x128xf32, #tpu.memory_space<vmem>>, %arg7: memref<128x128xf32, #tpu.memory_space<vmem>>, %arg8: memref<4x128xi32, #tpu.memory_space<vmem>>, %arg9: memref<4x128xi32, #tpu.memory_space<vmem>>, %arg10: memref<!tpu.dma_semaphore, #tpu.memory_space<semaphore_mem>>, %arg11: memref<!tpu.dma_semaphore, #tpu.memory_space<semaphore_mem>>, %arg12: memref<!tpu.dma_semaphore, #tpu.memory_space<semaphore_mem>>, %arg13: memref<!tpu.dma_semaphore, #tpu.memory_space<semaphore_mem>>, %arg14: memref<!tpu.dma_semaphore, #tpu.memory_space<semaphore_mem>>, %arg15: memref<!tpu.dma_semaphore, #tpu.memory_space<semaphore_mem>>, %arg16: memref<!tpu.dma_semaphore, #tpu.memory_space<semaphore_mem>>, %arg17: memref<!tpu.dma_semaphore, #tpu.memory_space<semaphore_mem>>, %arg18: memref<!tpu.dma_semaphore, #tpu.memory_space<semaphore_mem>>, %arg19: memref<!tpu.dma_semaphore, #tpu.memory_space<semaphore_mem>>, %arg20: memref<!tpu.dma_semaphore, #tpu.memory_space<semaphore_mem>>, %arg21: memref<!tpu.dma_semaphore, #tpu.memory_space<semaphore_mem>>) attributes {dimension_semantics = [#tpu.dimension_semantics<core_parallel>, #tpu.dimension_semantics<subcore_parallel>], iteration_bounds = array<i64: 2, 16>, scalar_prefetch = 0 : i64, scratch_operands = 17 : i64, tpu.core_type = #tpu.core_type<sc_vector_subcore>, window_params = [{transform_indices = #map}, {transform_indices = #map1}, {transform_indices = #map}]} {
    %mul3A = arith.constant 2 : i32
    %mul3A_0 = arith.muli %arg1, %mul3A : i32
    %add3A = arith.addi %mul3A_0, %arg0 : i32
    %mul3A_1 = arith.constant 25600 : i32
    %mul3A_2 = arith.muli %add3A, %mul3A_1 : i32
    "tpu.region"() ({
      %run_scoped3A = tpu.sem_alloc : memref<!tpu.dma_semaphore, #tpu.memory_space<semaphore_mem>>
      %dma_start3A_85 = tpu.memref_slice %arg3[%mul3A_2] : memref<819200xi32, #tpu.memory_space<hbm>> -> memref<25600xi32, #tpu.memory_space<hbm>>
      %dma_start3A_86 = tpu.memref_slice %arg3[%mul3A_2] : memref<819200xi32, #tpu.memory_space<hbm>> -> memref<25600xi32, #tpu.memory_space<hbm>>
      tpu.enqueue_dma source(%dma_start3A_86 : memref<25600xi32, #tpu.memory_space<hbm>>) target(%arg5 : memref<25600xi32, #tpu.memory_space<vmem>>) target_semaphore(%run_scoped3A : memref<!tpu.dma_semaphore, #tpu.memory_space<semaphore_mem>>)
      %dma_wait3A_87 = tpu.memref_slice %arg3[%mul3A_2] : memref<819200xi32, #tpu.memory_space<hbm>> -> memref<25600xi32, #tpu.memory_space<hbm>>
      %dma_wait3A_88 = tpu.memref_slice %arg3[%mul3A_2] : memref<819200xi32, #tpu.memory_space<hbm>> -> memref<25600xi32, #tpu.memory_space<hbm>>
      tpu.wait_dma2 semaphore(%run_scoped3A : memref<!tpu.dma_semaphore, #tpu.memory_space<semaphore_mem>>) src(%dma_wait3A_88 : memref<25600xi32, #tpu.memory_space<hbm>>) dst(%arg5 : memref<25600xi32, #tpu.memory_space<vmem>>)
      tpu.yield
    }) : () -> ()
    %broadcast_in_dim3A = arith.constant 0.000000e+00 : f32
    %broadcast_in_dim3A_3 = vector.broadcast %broadcast_in_dim3A : f32 to vector<16xf32>
    %scan3A = arith.constant 0 : i32
    %scan3A_4 = arith.constant 0 : i32
    %scan3A_5 = arith.constant 128 : i32
    %scan3A_6 = arith.addi %scan3A_4, %scan3A_5 : i32
    %scan3A_7 = arith.constant 1 : i32
    scf.for %scan3A_85 = %scan3A_4 to %scan3A_6 step %scan3A_7  : i32 {
      %swap3A = arith.index_cast %scan3A_85 : i32 to index
      %swap3A_86 = arith.constant 0 : index
      %swap3A_87 = tpu.vector_load %arg7[%swap3A, %swap3A_86] {strides = array<i32>} : memref<128x128xf32, #tpu.memory_space<vmem>>, vector<1x16xf32>,
      %swap3A_88 = vector.shape_cast %swap3A_87 : vector<1x16xf32> to vector<16xf32>
      %swap3A_89 = vector.shape_cast %broadcast_in_dim3A_3 : vector<16xf32> to vector<1x16xf32>
      tpu.vector_store %arg7[%swap3A, %swap3A_86], %swap3A_89 {strides = array<i32>} : memref<128x128xf32, #tpu.memory_space<vmem>>, vector<1x16xf32>,
      %swap3A_90 = arith.index_cast %scan3A_85 : i32 to index
      %swap3A_91 = arith.constant 16 : index
      %swap3A_92 = tpu.vector_load %arg7[%swap3A_90, %swap3A_91] {strides = array<i32>} : memref<128x128xf32, #tpu.memory_space<vmem>>, vector<1x16xf32>,
      %swap3A_93 = vector.shape_cast %swap3A_92 : vector<1x16xf32> to vector<16xf32>
      %swap3A_94 = vector.shape_cast %broadcast_in_dim3A_3 : vector<16xf32> to vector<1x16xf32>
      tpu.vector_store %arg7[%swap3A_90, %swap3A_91], %swap3A_94 {strides = array<i32>} : memref<128x128xf32, #tpu.memory_space<vmem>>, vector<1x16xf32>,
      %swap3A_95 = arith.index_cast %scan3A_85 : i32 to index
      %swap3A_96 = arith.constant 32 : index
      %swap3A_97 = tpu.vector_load %arg7[%swap3A_95, %swap3A_96] {strides = array<i32>} : memref<128x128xf32, #tpu.memory_space<vmem>>, vector<1x16xf32>,
      %swap3A_98 = vector.shape_cast %swap3A_97 : vector<1x16xf32> to vector<16xf32>
      %swap3A_99 = vector.shape_cast %broadcast_in_dim3A_3 : vector<16xf32> to vector<1x16xf32>
      tpu.vector_store %arg7[%swap3A_95, %swap3A_96], %swap3A_99 {strides = array<i32>} : memref<128x128xf32, #tpu.memory_space<vmem>>, vector<1x16xf32>,
      %swap3A_100 = arith.index_cast %scan3A_85 : i32 to index
      %swap3A_101 = arith.constant 48 : index
      %swap3A_102 = tpu.vector_load %arg7[%swap3A_100, %swap3A_101] {strides = array<i32>} : memref<128x128xf32, #tpu.memory_space<vmem>>, vector<1x16xf32>,
      %swap3A_103 = vector.shape_cast %swap3A_102 : vector<1x16xf32> to vector<16xf32>
      %swap3A_104 = vector.shape_cast %broadcast_in_dim3A_3 : vector<16xf32> to vector<1x16xf32>
      tpu.vector_store %arg7[%swap3A_100, %swap3A_101], %swap3A_104 {strides = array<i32>} : memref<128x128xf32, #tpu.memory_space<vmem>>, vector<1x16xf32>,
      %swap3A_105 = arith.index_cast %scan3A_85 : i32 to index
      %swap3A_106 = arith.constant 64 : index
      %swap3A_107 = tpu.vector_load %arg7[%swap3A_105, %swap3A_106] {strides = array<i32>} : memref<128x128xf32, #tpu.memory_space<vmem>>, vector<1x16xf32>,
      %swap3A_108 = vector.shape_cast %swap3A_107 : vector<1x16xf32> to vector<16xf32>
      %swap3A_109 = vector.shape_cast %broadcast_in_dim3A_3 : vector<16xf32> to vector<1x16xf32>
      tpu.vector_store %arg7[%swap3A_105, %swap3A_106], %swap3A_109 {strides = array<i32>} : memref<128x128xf32, #tpu.memory_space<vmem>>, vector<1x16xf32>,
      %swap3A_110 = arith.index_cast %scan3A_85 : i32 to index
      %swap3A_111 = arith.constant 80 : index
      %swap3A_112 = tpu.vector_load %arg7[%swap3A_110, %swap3A_111] {strides = array<i32>} : memref<128x128xf32, #tpu.memory_space<vmem>>, vector<1x16xf32>,
      %swap3A_113 = vector.shape_cast %swap3A_112 : vector<1x16xf32> to vector<16xf32>
      %swap3A_114 = vector.shape_cast %broadcast_in_dim3A_3 : vector<16xf32> to vector<1x16xf32>
      tpu.vector_store %arg7[%swap3A_110, %swap3A_111], %swap3A_114 {strides = array<i32>} : memref<128x128xf32, #tpu.memory_space<vmem>>, vector<1x16xf32>,
      %swap3A_115 = arith.index_cast %scan3A_85 : i32 to index
      %swap3A_116 = arith.constant 96 : index
      %swap3A_117 = tpu.vector_load %arg7[%swap3A_115, %swap3A_116] {strides = array<i32>} : memref<128x128xf32, #tpu.memory_space<vmem>>, vector<1x16xf32>,
      %swap3A_118 = vector.shape_cast %swap3A_117 : vector<1x16xf32> to vector<16xf32>
      %swap3A_119 = vector.shape_cast %broadcast_in_dim3A_3 : vector<16xf32> to vector<1x16xf32>
      tpu.vector_store %arg7[%swap3A_115, %swap3A_116], %swap3A_119 {strides = array<i32>} : memref<128x128xf32, #tpu.memory_space<vmem>>, vector<1x16xf32>,
      %swap3A_120 = arith.index_cast %scan3A_85 : i32 to index
      %swap3A_121 = arith.constant 112 : index
      %swap3A_122 = tpu.vector_load %arg7[%swap3A_120, %swap3A_121] {strides = array<i32>} : memref<128x128xf32, #tpu.memory_space<vmem>>, vector<1x16xf32>,
      %swap3A_123 = vector.shape_cast %swap3A_122 : vector<1x16xf32> to vector<16xf32>
      %swap3A_124 = vector.shape_cast %broadcast_in_dim3A_3 : vector<16xf32> to vector<1x16xf32>
      tpu.vector_store %arg7[%swap3A_120, %swap3A_121], %swap3A_124 {strides = array<i32>} : memref<128x128xf32, #tpu.memory_space<vmem>>, vector<1x16xf32>,
    }
    %scan3A_8 = arith.constant 128 : i32
    %iota3A = tpu.iota {dimensions = array<i32: 0>} : vector<16xi32>
    %mul3A_9 = arith.constant 0 : i32
    %mul3A_10 = arith.constant 128 : i32
    %mul3A_11 = arith.muli %mul3A_9, %mul3A_10 : i32
    %add3A_12 = arith.addi %mul3A_2, %mul3A_11 : i32
    %dma_start3A = arith.constant 0 : i32
    %dma_start3A_13 = arith.constant 0 : i32
    %dma_start3A_14 = arith.constant 0 : i32
    %dma_start3A_15 = tpu.memref_slice %arg6[%dma_start3A, %dma_start3A_13, %dma_start3A_14] : memref<4x128x128xf32, #tpu.memory_space<vmem>> -> memref<1x128x128xf32, #tpu.memory_space<vmem>>
    %dma_start3A_16 = tpu.memref_squeeze %dma_start3A_15 : memref<1x128x128xf32, #tpu.memory_space<vmem>> -> memref<128x128xf32, #tpu.memory_space<vmem>>
    %dma_start3A_17 = arith.constant 0 : i32
    %dma_start3A_18 = tpu.memref_slice %arg2[%add3A_12, %dma_start3A_17] : memref<819200x128xf32, #tpu.memory_space<hbm>> -> memref<128x128xf32, #tpu.memory_space<hbm>>
    %dma_start3A_19 = arith.constant 0 : i32
    %dma_start3A_20 = arith.constant 0 : i32
    %dma_start3A_21 = tpu.memref_slice %arg6[%dma_start3A, %dma_start3A_19, %dma_start3A_20] : memref<4x128x128xf32, #tpu.memory_space<vmem>> -> memref<1x128x128xf32, #tpu.memory_space<vmem>>
    %dma_start3A_22 = tpu.memref_squeeze %dma_start3A_21 : memref<1x128x128xf32, #tpu.memory_space<vmem>> -> memref<128x128xf32, #tpu.memory_space<vmem>>
    %dma_start3A_23 = arith.constant 0 : i32
    %dma_start3A_24 = tpu.memref_slice %arg2[%add3A_12, %dma_start3A_23] : memref<819200x128xf32, #tpu.memory_space<hbm>> -> memref<128x128xf32, #tpu.memory_space<hbm>>
    tpu.enqueue_dma source(%dma_start3A_24 : memref<128x128xf32, #tpu.memory_space<hbm>>) target(%dma_start3A_22 : memref<128x128xf32, #tpu.memory_space<vmem>>) target_semaphore(%arg10 : memref<!tpu.dma_semaphore, #tpu.memory_space<semaphore_mem>>)
    %mul3A_25 = arith.constant 1 : i32
    %mul3A_26 = arith.constant 128 : i32
    %mul3A_27 = arith.muli %mul3A_25, %mul3A_26 : i32
    %add3A_28 = arith.addi %mul3A_2, %mul3A_27 : i32
    %dma_start3A_29 = arith.constant 1 : i32
    %dma_start3A_30 = arith.constant 0 : i32
    %dma_start3A_31 = arith.constant 0 : i32
    %dma_start3A_32 = tpu.memref_slice %arg6[%dma_start3A_29, %dma_start3A_30, %dma_start3A_31] : memref<4x128x128xf32, #tpu.memory_space<vmem>> -> memref<1x128x128xf32, #tpu.memory_space<vmem>>
    %dma_start3A_33 = tpu.memref_squeeze %dma_start3A_32 : memref<1x128x128xf32, #tpu.memory_space<vmem>> -> memref<128x128xf32, #tpu.memory_space<vmem>>
    %dma_start3A_34 = arith.constant 0 : i32
    %dma_start3A_35 = tpu.memref_slice %arg2[%add3A_28, %dma_start3A_34] : memref<819200x128xf32, #tpu.memory_space<hbm>> -> memref<128x128xf32, #tpu.memory_space<hbm>>
    %dma_start3A_36 = arith.constant 0 : i32
    %dma_start3A_37 = arith.constant 0 : i32
    %dma_start3A_38 = tpu.memref_slice %arg6[%dma_start3A_29, %dma_start3A_36, %dma_start3A_37] : memref<4x128x128xf32, #tpu.memory_space<vmem>> -> memref<1x128x128xf32, #tpu.memory_space<vmem>>
    %dma_start3A_39 = tpu.memref_squeeze %dma_start3A_38 : memref<1x128x128xf32, #tpu.memory_space<vmem>> -> memref<128x128xf32, #tpu.memory_space<vmem>>
    %dma_start3A_40 = arith.constant 0 : i32
    %dma_start3A_41 = tpu.memref_slice %arg2[%add3A_28, %dma_start3A_40] : memref<819200x128xf32, #tpu.memory_space<hbm>> -> memref<128x128xf32, #tpu.memory_space<hbm>>
    tpu.enqueue_dma source(%dma_start3A_41 : memref<128x128xf32, #tpu.memory_space<hbm>>) target(%dma_start3A_39 : memref<128x128xf32, #tpu.memory_space<vmem>>) target_semaphore(%arg11 : memref<!tpu.dma_semaphore, #tpu.memory_space<semaphore_mem>>)
    %scan3A_42 = arith.constant 0 : i32
    %scan3A_43 = arith.constant 0 : i32
    %scan3A_44 = arith.constant 50 : i32
    %scan3A_45 = arith.addi %scan3A_43, %scan3A_44 : i32
    %scan3A_46 = arith.constant 1 : i32
    scf.for %scan3A_85 = %scan3A_43 to %scan3A_45 step %scan3A_46  : i32 {
      %mul3A_86 = arith.constant 4 : i32
      %mul3A_87 = arith.muli %scan3A_85, %mul3A_86 : i32
      %add3A_88 = arith.constant 0 : i32
      %add3A_89 = arith.addi %mul3A_87, %add3A_88 : i32
      %ge3A = arith.constant 2 : i32
      %ge3A_90 = arith.cmpi sge, %add3A_89, %ge3A : i32
      %convert_element_type3A = arith.extui %ge3A_90 : i1 to i32
      %cond3A = arith.constant 0 : i32
      %cond3A_91 = arith.cmpi ne, %convert_element_type3A, %cond3A : i32
      scf.if %cond3A_91 {
        %dma_wait3A_1287 = arith.constant 2 : i32
        %dma_wait3A_1288 = arith.constant 2 : i32
        %dma_wait3A_1289 = arith.constant 0 : i32
        %dma_wait3A_1290 = arith.constant 0 : i32
        %dma_wait3A_1291 = tpu.memref_slice %arg6[%dma_wait3A_1287, %dma_wait3A_1289, %dma_wait3A_1290] : memref<4x128x128xf32, #tpu.memory_space<vmem>> -> memref<1x128x128xf32, #tpu.memory_space<vmem>>
        %dma_wait3A_1292 = tpu.memref_squeeze %dma_wait3A_1291 : memref<1x128x128xf32, #tpu.memory_space<vmem>> -> memref<128x128xf32, #tpu.memory_space<vmem>>
        %dma_wait3A_1293 = arith.constant 0 : i32
        %dma_wait3A_1294 = tpu.memref_slice %arg8[%dma_wait3A_1288, %dma_wait3A_1293] : memref<4x128xi32, #tpu.memory_space<vmem>> -> memref<1x128xi32, #tpu.memory_space<vmem>>
        %dma_wait3A_1295 = tpu.memref_squeeze %dma_wait3A_1294 : memref<1x128xi32, #tpu.memory_space<vmem>> -> memref<128xi32, #tpu.memory_space<vmem>>
        %dma_wait3A_1296 = arith.constant 0 : i32
        %dma_wait3A_1297 = arith.constant 0 : i32
        %dma_wait3A_1298 = tpu.memref_slice %arg4[%dma_wait3A_1296, %dma_wait3A_1297] : memref<1638400x128xf32, #tpu.memory_space<hbm>> -> memref<1638400x128xf32, #tpu.memory_space<hbm>>
        tpu.wait_indirect_dma semaphore(%arg16 : memref<!tpu.dma_semaphore, #tpu.memory_space<semaphore_mem>>) src(%dma_wait3A_1292 : memref<128x128xf32, #tpu.memory_space<vmem>>) dst(%dma_wait3A_1298 : memref<1638400x128xf32, #tpu.memory_space<hbm>>)
        %dma_wait3A_1299 = arith.constant 2 : i32
        %dma_wait3A_1300 = arith.constant 0 : i32
        %dma_wait3A_1301 = tpu.memref_slice %arg9[%dma_wait3A_1299, %dma_wait3A_1300] : memref<4x128xi32, #tpu.memory_space<vmem>> -> memref<1x128xi32, #tpu.memory_space<vmem>>
        %dma_wait3A_1302 = tpu.memref_squeeze %dma_wait3A_1301 : memref<1x128xi32, #tpu.memory_space<vmem>> -> memref<128xi32, #tpu.memory_space<vmem>>
        %dma_wait3A_1303 = arith.constant 0 : i32
        %dma_wait3A_1304 = arith.constant 0 : i32
        %dma_wait3A_1305 = tpu.memref_slice %arg4[%dma_wait3A_1303, %dma_wait3A_1304] : memref<1638400x128xf32, #tpu.memory_space<hbm>> -> memref<1638400x128xf32, #tpu.memory_space<hbm>>
        tpu.wait_indirect_dma semaphore(%arg20 : memref<!tpu.dma_semaphore, #tpu.memory_space<semaphore_mem>>) src(%arg7 : memref<128x128xf32, #tpu.memory_space<vmem>>) dst(%dma_wait3A_1305 : memref<1638400x128xf32, #tpu.memory_space<hbm>>)
      } else {
      }
      %add3A_92 = arith.constant 2 : i32
      %add3A_93 = arith.addi %add3A_89, %add3A_92 : i32
      %lt3A = arith.constant 200 : i32
      %lt3A_94 = arith.cmpi slt, %add3A_93, %lt3A : i32
      %convert_element_type3A_95 = arith.extui %lt3A_94 : i1 to i32
      %cond3A_96 = arith.constant 0 : i32
      %cond3A_97 = arith.cmpi ne, %convert_element_type3A_95, %cond3A_96 : i32
      scf.if %cond3A_97 {
        %add3A_1287 = arith.constant 2 : i32
        %add3A_1288 = arith.addi %add3A_89, %add3A_1287 : i32
        %mul3A_1289 = arith.constant 128 : i32
        %mul3A_1290 = arith.muli %add3A_1288, %mul3A_1289 : i32
        %add3A_1291 = arith.addi %mul3A_2, %mul3A_1290 : i32
        %dma_start3A_1292 = arith.constant 2 : i32
        %dma_start3A_1293 = arith.constant 0 : i32
        %dma_start3A_1294 = arith.constant 0 : i32
        %dma_start3A_1295 = tpu.memref_slice %arg6[%dma_start3A_1292, %dma_start3A_1293, %dma_start3A_1294] : memref<4x128x128xf32, #tpu.memory_space<vmem>> -> memref<1x128x128xf32, #tpu.memory_space<vmem>>
        %dma_start3A_1296 = tpu.memref_squeeze %dma_start3A_1295 : memref<1x128x128xf32, #tpu.memory_space<vmem>> -> memref<128x128xf32, #tpu.memory_space<vmem>>
        %dma_start3A_1297 = arith.constant 0 : i32
        %dma_start3A_1298 = tpu.memref_slice %arg2[%add3A_1291, %dma_start3A_1297] : memref<819200x128xf32, #tpu.memory_space<hbm>> -> memref<128x128xf32, #tpu.memory_space<hbm>>
        %dma_start3A_1299 = arith.constant 0 : i32
        %dma_start3A_1300 = arith.constant 0 : i32
        %dma_start3A_1301 = tpu.memref_slice %arg6[%dma_start3A_1292, %dma_start3A_1299, %dma_start3A_1300] : memref<4x128x128xf32, #tpu.memory_space<vmem>> -> memref<1x128x128xf32, #tpu.memory_space<vmem>>
        %dma_start3A_1302 = tpu.memref_squeeze %dma_start3A_1301 : memref<1x128x128xf32, #tpu.memory_space<vmem>> -> memref<128x128xf32, #tpu.memory_space<vmem>>
        %dma_start3A_1303 = arith.constant 0 : i32
        %dma_start3A_1304 = tpu.memref_slice %arg2[%add3A_1291, %dma_start3A_1303] : memref<819200x128xf32, #tpu.memory_space<hbm>> -> memref<128x128xf32, #tpu.memory_space<hbm>>
        tpu.enqueue_dma source(%dma_start3A_1304 : memref<128x128xf32, #tpu.memory_space<hbm>>) target(%dma_start3A_1302 : memref<128x128xf32, #tpu.memory_space<vmem>>) target_semaphore(%arg12 : memref<!tpu.dma_semaphore, #tpu.memory_space<semaphore_mem>>)
      } else {
      }
      %mul3A_98 = arith.constant 128 : i32
      %mul3A_99 = arith.muli %add3A_89, %mul3A_98 : i32
      %add3A_100 = arith.addi %mul3A_2, %mul3A_99 : i32
      %dma_wait3A_101 = arith.constant 0 : i32
      %dma_wait3A_102 = arith.constant 0 : i32
      %dma_wait3A_103 = arith.constant 0 : i32
      %dma_wait3A_104 = tpu.memref_slice %arg6[%dma_wait3A_101, %dma_wait3A_102, %dma_wait3A_103] : memref<4x128x128xf32, #tpu.memory_space<vmem>> -> memref<1x128x128xf32, #tpu.memory_space<vmem>>
      %dma_wait3A_105 = tpu.memref_squeeze %dma_wait3A_104 : memref<1x128x128xf32, #tpu.memory_space<vmem>> -> memref<128x128xf32, #tpu.memory_space<vmem>>
      %dma_wait3A_106 = arith.constant 0 : i32
      %dma_wait3A_107 = tpu.memref_slice %arg2[%add3A_100, %dma_wait3A_106] : memref<819200x128xf32, #tpu.memory_space<hbm>> -> memref<128x128xf32, #tpu.memory_space<hbm>>
      %dma_wait3A_108 = arith.constant 0 : i32
      %dma_wait3A_109 = arith.constant 0 : i32
      %dma_wait3A_110 = tpu.memref_slice %arg6[%dma_wait3A_101, %dma_wait3A_108, %dma_wait3A_109] : memref<4x128x128xf32, #tpu.memory_space<vmem>> -> memref<1x128x128xf32, #tpu.memory_space<vmem>>
      %dma_wait3A_111 = tpu.memref_squeeze %dma_wait3A_110 : memref<1x128x128xf32, #tpu.memory_space<vmem>> -> memref<128x128xf32, #tpu.memory_space<vmem>>
      %dma_wait3A_112 = arith.constant 0 : i32
      %dma_wait3A_113 = tpu.memref_slice %arg2[%add3A_100, %dma_wait3A_112] : memref<819200x128xf32, #tpu.memory_space<hbm>> -> memref<128x128xf32, #tpu.memory_space<hbm>>
      tpu.wait_dma2 semaphore(%arg10 : memref<!tpu.dma_semaphore, #tpu.memory_space<semaphore_mem>>) src(%dma_wait3A_113 : memref<128x128xf32, #tpu.memory_space<hbm>>) dst(%dma_wait3A_111 : memref<128x128xf32, #tpu.memory_space<vmem>>)
      %mul3A_114 = arith.constant 128 : i32
      %mul3A_115 = arith.muli %add3A_89, %mul3A_114 : i32
      %add3A_116 = arith.addi %mul3A_2, %mul3A_115 : i32
      %mul3A_117 = arith.constant 128 : i32
      %mul3A_118 = arith.muli %add3A_89, %mul3A_117 : i32
      %add3A_119 = arith.constant 0 : i32
      %add3A_120 = arith.addi %mul3A_118, %add3A_119 : i32
      %get3A = arith.index_cast %add3A_120 : i32 to index
      %get3A_121 = tpu.vector_load %arg5[%get3A] {strides = array<i32>} : memref<25600xi32, #tpu.memory_space<vmem>>, vector<16xi32>,
      %get3A_122 = vector.shape_cast %get3A_121 : vector<16xi32> to vector<16xi32>
      %add3A_123 = arith.constant 0 : i32
      %add3A_124 = arith.addi %add3A_116, %add3A_123 : i32
      %add3A_125 = vector.broadcast %add3A_124 : i32 to vector<16xi32>
      %add3A_126 = arith.addi %add3A_125, %iota3A : vector<16xi32>
      %mul3A_127 = arith.constant 2 : i32
      %mul3A_128 = vector.broadcast %mul3A_127 : i32 to vector<16xi32>
      %mul3A_129 = arith.muli %mul3A_128, %add3A_126 : vector<16xi32>
      %add3A_130 = arith.constant 1 : i32
      %add3A_131 = vector.broadcast %add3A_130 : i32 to vector<16xi32>
      %add3A_132 = arith.addi %mul3A_129, %add3A_131 : vector<16xi32>
      %sub3A = arith.subi %add3A_132, %get3A_122 : vector<16xi32>
      %swap3A = arith.constant 0 : i32
      %swap3A_133 = arith.index_cast %swap3A : i32 to index
      %swap3A_134 = arith.constant 0 : index
      %swap3A_135 = tpu.vector_load %arg8[%swap3A_133, %swap3A_134] {strides = array<i32>} : memref<4x128xi32, #tpu.memory_space<vmem>>, vector<1x16xi32>,
      %swap3A_136 = vector.shape_cast %swap3A_135 : vector<1x16xi32> to vector<16xi32>
      %swap3A_137 = vector.shape_cast %sub3A : vector<16xi32> to vector<1x16xi32>
      tpu.vector_store %arg8[%swap3A_133, %swap3A_134], %swap3A_137 {strides = array<i32>} : memref<4x128xi32, #tpu.memory_space<vmem>>, vector<1x16xi32>,
      %add3A_138 = arith.addi %mul3A_129, %get3A_122 : vector<16xi32>
      %swap3A_139 = arith.constant 0 : i32
      %swap3A_140 = arith.index_cast %swap3A_139 : i32 to index
      %swap3A_141 = arith.constant 0 : index
      %swap3A_142 = tpu.vector_load %arg9[%swap3A_140, %swap3A_141] {strides = array<i32>} : memref<4x128xi32, #tpu.memory_space<vmem>>, vector<1x16xi32>,
      %swap3A_143 = vector.shape_cast %swap3A_142 : vector<1x16xi32> to vector<16xi32>
      %swap3A_144 = vector.shape_cast %add3A_138 : vector<16xi32> to vector<1x16xi32>
      tpu.vector_store %arg9[%swap3A_140, %swap3A_141], %swap3A_144 {strides = array<i32>} : memref<4x128xi32, #tpu.memory_space<vmem>>, vector<1x16xi32>,
      %mul3A_145 = arith.constant 128 : i32
      %mul3A_146 = arith.muli %add3A_89, %mul3A_145 : i32
      %add3A_147 = arith.constant 16 : i32
      %add3A_148 = arith.addi %mul3A_146, %add3A_147 : i32
      %get3A_149 = arith.index_cast %add3A_148 : i32 to index
      %get3A_150 = tpu.vector_load %arg5[%get3A_149] {strides = array<i32>} : memref<25600xi32, #tpu.memory_space<vmem>>, vector<16xi32>,
      %get3A_151 = vector.shape_cast %get3A_150 : vector<16xi32> to vector<16xi32>
      %add3A_152 = arith.constant 16 : i32
      %add3A_153 = arith.addi %add3A_116, %add3A_152 : i32
      %add3A_154 = vector.broadcast %add3A_153 : i32 to vector<16xi32>
      %add3A_155 = arith.addi %add3A_154, %iota3A : vector<16xi32>
      %mul3A_156 = arith.constant 2 : i32
      %mul3A_157 = vector.broadcast %mul3A_156 : i32 to vector<16xi32>
      %mul3A_158 = arith.muli %mul3A_157, %add3A_155 : vector<16xi32>
      %add3A_159 = arith.constant 1 : i32
      %add3A_160 = vector.broadcast %add3A_159 : i32 to vector<16xi32>
      %add3A_161 = arith.addi %mul3A_158, %add3A_160 : vector<16xi32>
      %sub3A_162 = arith.subi %add3A_161, %get3A_151 : vector<16xi32>
      %swap3A_163 = arith.constant 0 : i32
      %swap3A_164 = arith.index_cast %swap3A_163 : i32 to index
      %swap3A_165 = arith.constant 16 : index
      %swap3A_166 = tpu.vector_load %arg8[%swap3A_164, %swap3A_165] {strides = array<i32>} : memref<4x128xi32, #tpu.memory_space<vmem>>, vector<1x16xi32>,
      %swap3A_167 = vector.shape_cast %swap3A_166 : vector<1x16xi32> to vector<16xi32>
      %swap3A_168 = vector.shape_cast %sub3A_162 : vector<16xi32> to vector<1x16xi32>
      tpu.vector_store %arg8[%swap3A_164, %swap3A_165], %swap3A_168 {strides = array<i32>} : memref<4x128xi32, #tpu.memory_space<vmem>>, vector<1x16xi32>,
      %add3A_169 = arith.addi %mul3A_158, %get3A_151 : vector<16xi32>
      %swap3A_170 = arith.constant 0 : i32
      %swap3A_171 = arith.index_cast %swap3A_170 : i32 to index
      %swap3A_172 = arith.constant 16 : index
      %swap3A_173 = tpu.vector_load %arg9[%swap3A_171, %swap3A_172] {strides = array<i32>} : memref<4x128xi32, #tpu.memory_space<vmem>>, vector<1x16xi32>,
      %swap3A_174 = vector.shape_cast %swap3A_173 : vector<1x16xi32> to vector<16xi32>
      %swap3A_175 = vector.shape_cast %add3A_169 : vector<16xi32> to vector<1x16xi32>
      tpu.vector_store %arg9[%swap3A_171, %swap3A_172], %swap3A_175 {strides = array<i32>} : memref<4x128xi32, #tpu.memory_space<vmem>>, vector<1x16xi32>,
      %mul3A_176 = arith.constant 128 : i32
      %mul3A_177 = arith.muli %add3A_89, %mul3A_176 : i32
      %add3A_178 = arith.constant 32 : i32
      %add3A_179 = arith.addi %mul3A_177, %add3A_178 : i32
      %get3A_180 = arith.index_cast %add3A_179 : i32 to index
      %get3A_181 = tpu.vector_load %arg5[%get3A_180] {strides = array<i32>} : memref<25600xi32, #tpu.memory_space<vmem>>, vector<16xi32>,
      %get3A_182 = vector.shape_cast %get3A_181 : vector<16xi32> to vector<16xi32>
      %add3A_183 = arith.constant 32 : i32
      %add3A_184 = arith.addi %add3A_116, %add3A_183 : i32
      %add3A_185 = vector.broadcast %add3A_184 : i32 to vector<16xi32>
      %add3A_186 = arith.addi %add3A_185, %iota3A : vector<16xi32>
      %mul3A_187 = arith.constant 2 : i32
      %mul3A_188 = vector.broadcast %mul3A_187 : i32 to vector<16xi32>
      %mul3A_189 = arith.muli %mul3A_188, %add3A_186 : vector<16xi32>
      %add3A_190 = arith.constant 1 : i32
      %add3A_191 = vector.broadcast %add3A_190 : i32 to vector<16xi32>
      %add3A_192 = arith.addi %mul3A_189, %add3A_191 : vector<16xi32>
      %sub3A_193 = arith.subi %add3A_192, %get3A_182 : vector<16xi32>
      %swap3A_194 = arith.constant 0 : i32
      %swap3A_195 = arith.index_cast %swap3A_194 : i32 to index
      %swap3A_196 = arith.constant 32 : index
      %swap3A_197 = tpu.vector_load %arg8[%swap3A_195, %swap3A_196] {strides = array<i32>} : memref<4x128xi32, #tpu.memory_space<vmem>>, vector<1x16xi32>,
      %swap3A_198 = vector.shape_cast %swap3A_197 : vector<1x16xi32> to vector<16xi32>
      %swap3A_199 = vector.shape_cast %sub3A_193 : vector<16xi32> to vector<1x16xi32>
      tpu.vector_store %arg8[%swap3A_195, %swap3A_196], %swap3A_199 {strides = array<i32>} : memref<4x128xi32, #tpu.memory_space<vmem>>, vector<1x16xi32>,
      %add3A_200 = arith.addi %mul3A_189, %get3A_182 : vector<16xi32>
      %swap3A_201 = arith.constant 0 : i32
      %swap3A_202 = arith.index_cast %swap3A_201 : i32 to index
      %swap3A_203 = arith.constant 32 : index
      %swap3A_204 = tpu.vector_load %arg9[%swap3A_202, %swap3A_203] {strides = array<i32>} : memref<4x128xi32, #tpu.memory_space<vmem>>, vector<1x16xi32>,
      %swap3A_205 = vector.shape_cast %swap3A_204 : vector<1x16xi32> to vector<16xi32>
      %swap3A_206 = vector.shape_cast %add3A_200 : vector<16xi32> to vector<1x16xi32>
      tpu.vector_store %arg9[%swap3A_202, %swap3A_203], %swap3A_206 {strides = array<i32>} : memref<4x128xi32, #tpu.memory_space<vmem>>, vector<1x16xi32>,
      %mul3A_207 = arith.constant 128 : i32
      %mul3A_208 = arith.muli %add3A_89, %mul3A_207 : i32
      %add3A_209 = arith.constant 48 : i32
      %add3A_210 = arith.addi %mul3A_208, %add3A_209 : i32
      %get3A_211 = arith.index_cast %add3A_210 : i32 to index
      %get3A_212 = tpu.vector_load %arg5[%get3A_211] {strides = array<i32>} : memref<25600xi32, #tpu.memory_space<vmem>>, vector<16xi32>,
      %get3A_213 = vector.shape_cast %get3A_212 : vector<16xi32> to vector<16xi32>
      %add3A_214 = arith.constant 48 : i32
      %add3A_215 = arith.addi %add3A_116, %add3A_214 : i32
      %add3A_216 = vector.broadcast %add3A_215 : i32 to vector<16xi32>
      %add3A_217 = arith.addi %add3A_216, %iota3A : vector<16xi32>
      %mul3A_218 = arith.constant 2 : i32
      %mul3A_219 = vector.broadcast %mul3A_218 : i32 to vector<16xi32>
      %mul3A_220 = arith.muli %mul3A_219, %add3A_217 : vector<16xi32>
      %add3A_221 = arith.constant 1 : i32
      %add3A_222 = vector.broadcast %add3A_221 : i32 to vector<16xi32>
      %add3A_223 = arith.addi %mul3A_220, %add3A_222 : vector<16xi32>
      %sub3A_224 = arith.subi %add3A_223, %get3A_213 : vector<16xi32>
      %swap3A_225 = arith.constant 0 : i32
      %swap3A_226 = arith.index_cast %swap3A_225 : i32 to index
      %swap3A_227 = arith.constant 48 : index
      %swap3A_228 = tpu.vector_load %arg8[%swap3A_226, %swap3A_227] {strides = array<i32>} : memref<4x128xi32, #tpu.memory_space<vmem>>, vector<1x16xi32>,
      %swap3A_229 = vector.shape_cast %swap3A_228 : vector<1x16xi32> to vector<16xi32>
      %swap3A_230 = vector.shape_cast %sub3A_224 : vector<16xi32> to vector<1x16xi32>
      tpu.vector_store %arg8[%swap3A_226, %swap3A_227], %swap3A_230 {strides = array<i32>} : memref<4x128xi32, #tpu.memory_space<vmem>>, vector<1x16xi32>,
      %add3A_231 = arith.addi %mul3A_220, %get3A_213 : vector<16xi32>
      %swap3A_232 = arith.constant 0 : i32
      %swap3A_233 = arith.index_cast %swap3A_232 : i32 to index
      %swap3A_234 = arith.constant 48 : index
      %swap3A_235 = tpu.vector_load %arg9[%swap3A_233, %swap3A_234] {strides = array<i32>} : memref<4x128xi32, #tpu.memory_space<vmem>>, vector<1x16xi32>,
      %swap3A_236 = vector.shape_cast %swap3A_235 : vector<1x16xi32> to vector<16xi32>
      %swap3A_237 = vector.shape_cast %add3A_231 : vector<16xi32> to vector<1x16xi32>
      tpu.vector_store %arg9[%swap3A_233, %swap3A_234], %swap3A_237 {strides = array<i32>} : memref<4x128xi32, #tpu.memory_space<vmem>>, vector<1x16xi32>,
      %mul3A_238 = arith.constant 128 : i32
      %mul3A_239 = arith.muli %add3A_89, %mul3A_238 : i32
      %add3A_240 = arith.constant 64 : i32
      %add3A_241 = arith.addi %mul3A_239, %add3A_240 : i32
      %get3A_242 = arith.index_cast %add3A_241 : i32 to index
      %get3A_243 = tpu.vector_load %arg5[%get3A_242] {strides = array<i32>} : memref<25600xi32, #tpu.memory_space<vmem>>, vector<16xi32>,
      %get3A_244 = vector.shape_cast %get3A_243 : vector<16xi32> to vector<16xi32>
      %add3A_245 = arith.constant 64 : i32
      %add3A_246 = arith.addi %add3A_116, %add3A_245 : i32
      %add3A_247 = vector.broadcast %add3A_246 : i32 to vector<16xi32>
      %add3A_248 = arith.addi %add3A_247, %iota3A : vector<16xi32>
      %mul3A_249 = arith.constant 2 : i32
      %mul3A_250 = vector.broadcast %mul3A_249 : i32 to vector<16xi32>
      %mul3A_251 = arith.muli %mul3A_250, %add3A_248 : vector<16xi32>
      %add3A_252 = arith.constant 1 : i32
      %add3A_253 = vector.broadcast %add3A_252 : i32 to vector<16xi32>
      %add3A_254 = arith.addi %mul3A_251, %add3A_253 : vector<16xi32>
      %sub3A_255 = arith.subi %add3A_254, %get3A_244 : vector<16xi32>
      %swap3A_256 = arith.constant 0 : i32
      %swap3A_257 = arith.index_cast %swap3A_256 : i32 to index
      %swap3A_258 = arith.constant 64 : index
      %swap3A_259 = tpu.vector_load %arg8[%swap3A_257, %swap3A_258] {strides = array<i32>} : memref<4x128xi32, #tpu.memory_space<vmem>>, vector<1x16xi32>,
      %swap3A_260 = vector.shape_cast %swap3A_259 : vector<1x16xi32> to vector<16xi32>
      %swap3A_261 = vector.shape_cast %sub3A_255 : vector<16xi32> to vector<1x16xi32>
      tpu.vector_store %arg8[%swap3A_257, %swap3A_258], %swap3A_261 {strides = array<i32>} : memref<4x128xi32, #tpu.memory_space<vmem>>, vector<1x16xi32>,
      %add3A_262 = arith.addi %mul3A_251, %get3A_244 : vector<16xi32>
      %swap3A_263 = arith.constant 0 : i32
      %swap3A_264 = arith.index_cast %swap3A_263 : i32 to index
      %swap3A_265 = arith.constant 64 : index
      %swap3A_266 = tpu.vector_load %arg9[%swap3A_264, %swap3A_265] {strides = array<i32>} : memref<4x128xi32, #tpu.memory_space<vmem>>, vector<1x16xi32>,
      %swap3A_267 = vector.shape_cast %swap3A_266 : vector<1x16xi32> to vector<16xi32>
      %swap3A_268 = vector.shape_cast %add3A_262 : vector<16xi32> to vector<1x16xi32>
      tpu.vector_store %arg9[%swap3A_264, %swap3A_265], %swap3A_268 {strides = array<i32>} : memref<4x128xi32, #tpu.memory_space<vmem>>, vector<1x16xi32>,
      %mul3A_269 = arith.constant 128 : i32
      %mul3A_270 = arith.muli %add3A_89, %mul3A_269 : i32
      %add3A_271 = arith.constant 80 : i32
      %add3A_272 = arith.addi %mul3A_270, %add3A_271 : i32
      %get3A_273 = arith.index_cast %add3A_272 : i32 to index
      %get3A_274 = tpu.vector_load %arg5[%get3A_273] {strides = array<i32>} : memref<25600xi32, #tpu.memory_space<vmem>>, vector<16xi32>,
      %get3A_275 = vector.shape_cast %get3A_274 : vector<16xi32> to vector<16xi32>
      %add3A_276 = arith.constant 80 : i32
      %add3A_277 = arith.addi %add3A_116, %add3A_276 : i32
      %add3A_278 = vector.broadcast %add3A_277 : i32 to vector<16xi32>
      %add3A_279 = arith.addi %add3A_278, %iota3A : vector<16xi32>
      %mul3A_280 = arith.constant 2 : i32
      %mul3A_281 = vector.broadcast %mul3A_280 : i32 to vector<16xi32>
      %mul3A_282 = arith.muli %mul3A_281, %add3A_279 : vector<16xi32>
      %add3A_283 = arith.constant 1 : i32
      %add3A_284 = vector.broadcast %add3A_283 : i32 to vector<16xi32>
      %add3A_285 = arith.addi %mul3A_282, %add3A_284 : vector<16xi32>
      %sub3A_286 = arith.subi %add3A_285, %get3A_275 : vector<16xi32>
      %swap3A_287 = arith.constant 0 : i32
      %swap3A_288 = arith.index_cast %swap3A_287 : i32 to index
      %swap3A_289 = arith.constant 80 : index
      %swap3A_290 = tpu.vector_load %arg8[%swap3A_288, %swap3A_289] {strides = array<i32>} : memref<4x128xi32, #tpu.memory_space<vmem>>, vector<1x16xi32>,
      %swap3A_291 = vector.shape_cast %swap3A_290 : vector<1x16xi32> to vector<16xi32>
      %swap3A_292 = vector.shape_cast %sub3A_286 : vector<16xi32> to vector<1x16xi32>
      tpu.vector_store %arg8[%swap3A_288, %swap3A_289], %swap3A_292 {strides = array<i32>} : memref<4x128xi32, #tpu.memory_space<vmem>>, vector<1x16xi32>,
      %add3A_293 = arith.addi %mul3A_282, %get3A_275 : vector<16xi32>
      %swap3A_294 = arith.constant 0 : i32
      %swap3A_295 = arith.index_cast %swap3A_294 : i32 to index
      %swap3A_296 = arith.constant 80 : index
      %swap3A_297 = tpu.vector_load %arg9[%swap3A_295, %swap3A_296] {strides = array<i32>} : memref<4x128xi32, #tpu.memory_space<vmem>>, vector<1x16xi32>,
      %swap3A_298 = vector.shape_cast %swap3A_297 : vector<1x16xi32> to vector<16xi32>
      %swap3A_299 = vector.shape_cast %add3A_293 : vector<16xi32> to vector<1x16xi32>
      tpu.vector_store %arg9[%swap3A_295, %swap3A_296], %swap3A_299 {strides = array<i32>} : memref<4x128xi32, #tpu.memory_space<vmem>>, vector<1x16xi32>,
      %mul3A_300 = arith.constant 128 : i32
      %mul3A_301 = arith.muli %add3A_89, %mul3A_300 : i32
      %add3A_302 = arith.constant 96 : i32
      %add3A_303 = arith.addi %mul3A_301, %add3A_302 : i32
      %get3A_304 = arith.index_cast %add3A_303 : i32 to index
      %get3A_305 = tpu.vector_load %arg5[%get3A_304] {strides = array<i32>} : memref<25600xi32, #tpu.memory_space<vmem>>, vector<16xi32>,
      %get3A_306 = vector.shape_cast %get3A_305 : vector<16xi32> to vector<16xi32>
      %add3A_307 = arith.constant 96 : i32
      %add3A_308 = arith.addi %add3A_116, %add3A_307 : i32
      %add3A_309 = vector.broadcast %add3A_308 : i32 to vector<16xi32>
      %add3A_310 = arith.addi %add3A_309, %iota3A : vector<16xi32>
      %mul3A_311 = arith.constant 2 : i32
      %mul3A_312 = vector.broadcast %mul3A_311 : i32 to vector<16xi32>
      %mul3A_313 = arith.muli %mul3A_312, %add3A_310 : vector<16xi32>
      %add3A_314 = arith.constant 1 : i32
      %add3A_315 = vector.broadcast %add3A_314 : i32 to vector<16xi32>
      %add3A_316 = arith.addi %mul3A_313, %add3A_315 : vector<16xi32>
      %sub3A_317 = arith.subi %add3A_316, %get3A_306 : vector<16xi32>
      %swap3A_318 = arith.constant 0 : i32
      %swap3A_319 = arith.index_cast %swap3A_318 : i32 to index
      %swap3A_320 = arith.constant 96 : index
      %swap3A_321 = tpu.vector_load %arg8[%swap3A_319, %swap3A_320] {strides = array<i32>} : memref<4x128xi32, #tpu.memory_space<vmem>>, vector<1x16xi32>,
      %swap3A_322 = vector.shape_cast %swap3A_321 : vector<1x16xi32> to vector<16xi32>
      %swap3A_323 = vector.shape_cast %sub3A_317 : vector<16xi32> to vector<1x16xi32>
      tpu.vector_store %arg8[%swap3A_319, %swap3A_320], %swap3A_323 {strides = array<i32>} : memref<4x128xi32, #tpu.memory_space<vmem>>, vector<1x16xi32>,
      %add3A_324 = arith.addi %mul3A_313, %get3A_306 : vector<16xi32>
      %swap3A_325 = arith.constant 0 : i32
      %swap3A_326 = arith.index_cast %swap3A_325 : i32 to index
      %swap3A_327 = arith.constant 96 : index
      %swap3A_328 = tpu.vector_load %arg9[%swap3A_326, %swap3A_327] {strides = array<i32>} : memref<4x128xi32, #tpu.memory_space<vmem>>, vector<1x16xi32>,
      %swap3A_329 = vector.shape_cast %swap3A_328 : vector<1x16xi32> to vector<16xi32>
      %swap3A_330 = vector.shape_cast %add3A_324 : vector<16xi32> to vector<1x16xi32>
      tpu.vector_store %arg9[%swap3A_326, %swap3A_327], %swap3A_330 {strides = array<i32>} : memref<4x128xi32, #tpu.memory_space<vmem>>, vector<1x16xi32>,
      %mul3A_331 = arith.constant 128 : i32
      %mul3A_332 = arith.muli %add3A_89, %mul3A_331 : i32
      %add3A_333 = arith.constant 112 : i32
      %add3A_334 = arith.addi %mul3A_332, %add3A_333 : i32
      %get3A_335 = arith.index_cast %add3A_334 : i32 to index
      %get3A_336 = tpu.vector_load %arg5[%get3A_335] {strides = array<i32>} : memref<25600xi32, #tpu.memory_space<vmem>>, vector<16xi32>,
      %get3A_337 = vector.shape_cast %get3A_336 : vector<16xi32> to vector<16xi32>
      %add3A_338 = arith.constant 112 : i32
      %add3A_339 = arith.addi %add3A_116, %add3A_338 : i32
      %add3A_340 = vector.broadcast %add3A_339 : i32 to vector<16xi32>
      %add3A_341 = arith.addi %add3A_340, %iota3A : vector<16xi32>
      %mul3A_342 = arith.constant 2 : i32
      %mul3A_343 = vector.broadcast %mul3A_342 : i32 to vector<16xi32>
      %mul3A_344 = arith.muli %mul3A_343, %add3A_341 : vector<16xi32>
      %add3A_345 = arith.constant 1 : i32
      %add3A_346 = vector.broadcast %add3A_345 : i32 to vector<16xi32>
      %add3A_347 = arith.addi %mul3A_344, %add3A_346 : vector<16xi32>
      %sub3A_348 = arith.subi %add3A_347, %get3A_337 : vector<16xi32>
      %swap3A_349 = arith.constant 0 : i32
      %swap3A_350 = arith.index_cast %swap3A_349 : i32 to index
      %swap3A_351 = arith.constant 112 : index
      %swap3A_352 = tpu.vector_load %arg8[%swap3A_350, %swap3A_351] {strides = array<i32>} : memref<4x128xi32, #tpu.memory_space<vmem>>, vector<1x16xi32>,
      %swap3A_353 = vector.shape_cast %swap3A_352 : vector<1x16xi32> to vector<16xi32>
      %swap3A_354 = vector.shape_cast %sub3A_348 : vector<16xi32> to vector<1x16xi32>
      tpu.vector_store %arg8[%swap3A_350, %swap3A_351], %swap3A_354 {strides = array<i32>} : memref<4x128xi32, #tpu.memory_space<vmem>>, vector<1x16xi32>,
      %add3A_355 = arith.addi %mul3A_344, %get3A_337 : vector<16xi32>
      %swap3A_356 = arith.constant 0 : i32
      %swap3A_357 = arith.index_cast %swap3A_356 : i32 to index
      %swap3A_358 = arith.constant 112 : index
      %swap3A_359 = tpu.vector_load %arg9[%swap3A_357, %swap3A_358] {strides = array<i32>} : memref<4x128xi32, #tpu.memory_space<vmem>>, vector<1x16xi32>,
      %swap3A_360 = vector.shape_cast %swap3A_359 : vector<1x16xi32> to vector<16xi32>
      %swap3A_361 = vector.shape_cast %add3A_355 : vector<16xi32> to vector<1x16xi32>
      tpu.vector_store %arg9[%swap3A_357, %swap3A_358], %swap3A_361 {strides = array<i32>} : memref<4x128xi32, #tpu.memory_space<vmem>>, vector<1x16xi32>,
      %dma_start3A_362 = arith.constant 0 : i32
      %dma_start3A_363 = arith.constant 0 : i32
      %dma_start3A_364 = arith.constant 0 : i32
      %dma_start3A_365 = arith.constant 0 : i32
      %dma_start3A_366 = tpu.memref_slice %arg6[%dma_start3A_362, %dma_start3A_364, %dma_start3A_365] : memref<4x128x128xf32, #tpu.memory_space<vmem>> -> memref<1x128x128xf32, #tpu.memory_space<vmem>>
      %dma_start3A_367 = tpu.memref_squeeze %dma_start3A_366 : memref<1x128x128xf32, #tpu.memory_space<vmem>> -> memref<128x128xf32, #tpu.memory_space<vmem>>
      %dma_start3A_368 = arith.constant 0 : i32
      %dma_start3A_369 = tpu.memref_slice %arg8[%dma_start3A_363, %dma_start3A_368] : memref<4x128xi32, #tpu.memory_space<vmem>> -> memref<1x128xi32, #tpu.memory_space<vmem>>
      %dma_start3A_370 = tpu.memref_squeeze %dma_start3A_369 : memref<1x128xi32, #tpu.memory_space<vmem>> -> memref<128xi32, #tpu.memory_space<vmem>>
      %dma_start3A_371 = arith.constant 0 : i32
      %dma_start3A_372 = arith.constant 0 : i32
      %dma_start3A_373 = tpu.memref_slice %arg4[%dma_start3A_371, %dma_start3A_372] : memref<1638400x128xf32, #tpu.memory_space<hbm>> -> memref<1638400x128xf32, #tpu.memory_space<hbm>>
      tpu.enqueue_indirect_dma source(%dma_start3A_367 : memref<128x128xf32, #tpu.memory_space<vmem>>) target(%dma_start3A_373 : memref<1638400x128xf32, #tpu.memory_space<hbm>>) offsets(%dma_start3A_370 : memref<128xi32, #tpu.memory_space<vmem>>) semaphore(%arg14 : memref<!tpu.dma_semaphore, #tpu.memory_space<semaphore_mem>>)
      %dma_start3A_374 = arith.constant 0 : i32
      %dma_start3A_375 = arith.constant 0 : i32
      %dma_start3A_376 = tpu.memref_slice %arg9[%dma_start3A_374, %dma_start3A_375] : memref<4x128xi32, #tpu.memory_space<vmem>> -> memref<1x128xi32, #tpu.memory_space<vmem>>
      %dma_start3A_377 = tpu.memref_squeeze %dma_start3A_376 : memref<1x128xi32, #tpu.memory_space<vmem>> -> memref<128xi32, #tpu.memory_space<vmem>>
      %dma_start3A_378 = arith.constant 0 : i32
      %dma_start3A_379 = arith.constant 0 : i32
      %dma_start3A_380 = tpu.memref_slice %arg4[%dma_start3A_378, %dma_start3A_379] : memref<1638400x128xf32, #tpu.memory_space<hbm>> -> memref<1638400x128xf32, #tpu.memory_space<hbm>>
      tpu.enqueue_indirect_dma source(%arg7 : memref<128x128xf32, #tpu.memory_space<vmem>>) target(%dma_start3A_380 : memref<1638400x128xf32, #tpu.memory_space<hbm>>) offsets(%dma_start3A_377 : memref<128xi32, #tpu.memory_space<vmem>>) semaphore(%arg18 : memref<!tpu.dma_semaphore, #tpu.memory_space<semaphore_mem>>)
      %mul3A_381 = arith.constant 4 : i32
      %mul3A_382 = arith.muli %scan3A_85, %mul3A_381 : i32
      %add3A_383 = arith.constant 1 : i32
      %add3A_384 = arith.addi %mul3A_382, %add3A_383 : i32
      %ge3A_385 = arith.constant 2 : i32
      %ge3A_386 = arith.cmpi sge, %add3A_384, %ge3A_385 : i32
      %convert_element_type3A_387 = arith.extui %ge3A_386 : i1 to i32
      %cond3A_388 = arith.constant 0 : i32
      %cond3A_389 = arith.cmpi ne, %convert_element_type3A_387, %cond3A_388 : i32
      scf.if %cond3A_389 {
        %dma_wait3A_1287 = arith.constant 3 : i32
        %dma_wait3A_1288 = arith.constant 3 : i32
        %dma_wait3A_1289 = arith.constant 0 : i32
        %dma_wait3A_1290 = arith.constant 0 : i32
        %dma_wait3A_1291 = tpu.memref_slice %arg6[%dma_wait3A_1287, %dma_wait3A_1289, %dma_wait3A_1290] : memref<4x128x128xf32, #tpu.memory_space<vmem>> -> memref<1x128x128xf32, #tpu.memory_space<vmem>>
        %dma_wait3A_1292 = tpu.memref_squeeze %dma_wait3A_1291 : memref<1x128x128xf32, #tpu.memory_space<vmem>> -> memref<128x128xf32, #tpu.memory_space<vmem>>
        %dma_wait3A_1293 = arith.constant 0 : i32
        %dma_wait3A_1294 = tpu.memref_slice %arg8[%dma_wait3A_1288, %dma_wait3A_1293] : memref<4x128xi32, #tpu.memory_space<vmem>> -> memref<1x128xi32, #tpu.memory_space<vmem>>
        %dma_wait3A_1295 = tpu.memref_squeeze %dma_wait3A_1294 : memref<1x128xi32, #tpu.memory_space<vmem>> -> memref<128xi32, #tpu.memory_space<vmem>>
        %dma_wait3A_1296 = arith.constant 0 : i32
        %dma_wait3A_1297 = arith.constant 0 : i32
        %dma_wait3A_1298 = tpu.memref_slice %arg4[%dma_wait3A_1296, %dma_wait3A_1297] : memref<1638400x128xf32, #tpu.memory_space<hbm>> -> memref<1638400x128xf32, #tpu.memory_space<hbm>>
        tpu.wait_indirect_dma semaphore(%arg17 : memref<!tpu.dma_semaphore, #tpu.memory_space<semaphore_mem>>) src(%dma_wait3A_1292 : memref<128x128xf32, #tpu.memory_space<vmem>>) dst(%dma_wait3A_1298 : memref<1638400x128xf32, #tpu.memory_space<hbm>>)
        %dma_wait3A_1299 = arith.constant 3 : i32
        %dma_wait3A_1300 = arith.constant 0 : i32
        %dma_wait3A_1301 = tpu.memref_slice %arg9[%dma_wait3A_1299, %dma_wait3A_1300] : memref<4x128xi32, #tpu.memory_space<vmem>> -> memref<1x128xi32, #tpu.memory_space<vmem>>
        %dma_wait3A_1302 = tpu.memref_squeeze %dma_wait3A_1301 : memref<1x128xi32, #tpu.memory_space<vmem>> -> memref<128xi32, #tpu.memory_space<vmem>>
        %dma_wait3A_1303 = arith.constant 0 : i32
        %dma_wait3A_1304 = arith.constant 0 : i32
        %dma_wait3A_1305 = tpu.memref_slice %arg4[%dma_wait3A_1303, %dma_wait3A_1304] : memref<1638400x128xf32, #tpu.memory_space<hbm>> -> memref<1638400x128xf32, #tpu.memory_space<hbm>>
        tpu.wait_indirect_dma semaphore(%arg21 : memref<!tpu.dma_semaphore, #tpu.memory_space<semaphore_mem>>) src(%arg7 : memref<128x128xf32, #tpu.memory_space<vmem>>) dst(%dma_wait3A_1305 : memref<1638400x128xf32, #tpu.memory_space<hbm>>)
      } else {
      }
      %add3A_390 = arith.constant 2 : i32
      %add3A_391 = arith.addi %add3A_384, %add3A_390 : i32
      %lt3A_392 = arith.constant 200 : i32
      %lt3A_393 = arith.cmpi slt, %add3A_391, %lt3A_392 : i32
      %convert_element_type3A_394 = arith.extui %lt3A_393 : i1 to i32
      %cond3A_395 = arith.constant 0 : i32
      %cond3A_396 = arith.cmpi ne, %convert_element_type3A_394, %cond3A_395 : i32
      scf.if %cond3A_396 {
        %add3A_1287 = arith.constant 2 : i32
        %add3A_1288 = arith.addi %add3A_384, %add3A_1287 : i32
        %mul3A_1289 = arith.constant 128 : i32
        %mul3A_1290 = arith.muli %add3A_1288, %mul3A_1289 : i32
        %add3A_1291 = arith.addi %mul3A_2, %mul3A_1290 : i32
        %dma_start3A_1292 = arith.constant 3 : i32
        %dma_start3A_1293 = arith.constant 0 : i32
        %dma_start3A_1294 = arith.constant 0 : i32
        %dma_start3A_1295 = tpu.memref_slice %arg6[%dma_start3A_1292, %dma_start3A_1293, %dma_start3A_1294] : memref<4x128x128xf32, #tpu.memory_space<vmem>> -> memref<1x128x128xf32, #tpu.memory_space<vmem>>
        %dma_start3A_1296 = tpu.memref_squeeze %dma_start3A_1295 : memref<1x128x128xf32, #tpu.memory_space<vmem>> -> memref<128x128xf32, #tpu.memory_space<vmem>>
        %dma_start3A_1297 = arith.constant 0 : i32
        %dma_start3A_1298 = tpu.memref_slice %arg2[%add3A_1291, %dma_start3A_1297] : memref<819200x128xf32, #tpu.memory_space<hbm>> -> memref<128x128xf32, #tpu.memory_space<hbm>>
        %dma_start3A_1299 = arith.constant 0 : i32
        %dma_start3A_1300 = arith.constant 0 : i32
        %dma_start3A_1301 = tpu.memref_slice %arg6[%dma_start3A_1292, %dma_start3A_1299, %dma_start3A_1300] : memref<4x128x128xf32, #tpu.memory_space<vmem>> -> memref<1x128x128xf32, #tpu.memory_space<vmem>>
        %dma_start3A_1302 = tpu.memref_squeeze %dma_start3A_1301 : memref<1x128x128xf32, #tpu.memory_space<vmem>> -> memref<128x128xf32, #tpu.memory_space<vmem>>
        %dma_start3A_1303 = arith.constant 0 : i32
        %dma_start3A_1304 = tpu.memref_slice %arg2[%add3A_1291, %dma_start3A_1303] : memref<819200x128xf32, #tpu.memory_space<hbm>> -> memref<128x128xf32, #tpu.memory_space<hbm>>
        tpu.enqueue_dma source(%dma_start3A_1304 : memref<128x128xf32, #tpu.memory_space<hbm>>) target(%dma_start3A_1302 : memref<128x128xf32, #tpu.memory_space<vmem>>) target_semaphore(%arg13 : memref<!tpu.dma_semaphore, #tpu.memory_space<semaphore_mem>>)
      } else {
      }
      %mul3A_397 = arith.constant 128 : i32
      %mul3A_398 = arith.muli %add3A_384, %mul3A_397 : i32
      %add3A_399 = arith.addi %mul3A_2, %mul3A_398 : i32
      %dma_wait3A_400 = arith.constant 1 : i32
      %dma_wait3A_401 = arith.constant 0 : i32
      %dma_wait3A_402 = arith.constant 0 : i32
      %dma_wait3A_403 = tpu.memref_slice %arg6[%dma_wait3A_400, %dma_wait3A_401, %dma_wait3A_402] : memref<4x128x128xf32, #tpu.memory_space<vmem>> -> memref<1x128x128xf32, #tpu.memory_space<vmem>>
      %dma_wait3A_404 = tpu.memref_squeeze %dma_wait3A_403 : memref<1x128x128xf32, #tpu.memory_space<vmem>> -> memref<128x128xf32, #tpu.memory_space<vmem>>
      %dma_wait3A_405 = arith.constant 0 : i32
      %dma_wait3A_406 = tpu.memref_slice %arg2[%add3A_399, %dma_wait3A_405] : memref<819200x128xf32, #tpu.memory_space<hbm>> -> memref<128x128xf32, #tpu.memory_space<hbm>>
      %dma_wait3A_407 = arith.constant 0 : i32
      %dma_wait3A_408 = arith.constant 0 : i32
      %dma_wait3A_409 = tpu.memref_slice %arg6[%dma_wait3A_400, %dma_wait3A_407, %dma_wait3A_408] : memref<4x128x128xf32, #tpu.memory_space<vmem>> -> memref<1x128x128xf32, #tpu.memory_space<vmem>>
      %dma_wait3A_410 = tpu.memref_squeeze %dma_wait3A_409 : memref<1x128x128xf32, #tpu.memory_space<vmem>> -> memref<128x128xf32, #tpu.memory_space<vmem>>
      %dma_wait3A_411 = arith.constant 0 : i32
      %dma_wait3A_412 = tpu.memref_slice %arg2[%add3A_399, %dma_wait3A_411] : memref<819200x128xf32, #tpu.memory_space<hbm>> -> memref<128x128xf32, #tpu.memory_space<hbm>>
      tpu.wait_dma2 semaphore(%arg11 : memref<!tpu.dma_semaphore, #tpu.memory_space<semaphore_mem>>) src(%dma_wait3A_412 : memref<128x128xf32, #tpu.memory_space<hbm>>) dst(%dma_wait3A_410 : memref<128x128xf32, #tpu.memory_space<vmem>>)
      %mul3A_413 = arith.constant 128 : i32
      %mul3A_414 = arith.muli %add3A_384, %mul3A_413 : i32
      %add3A_415 = arith.addi %mul3A_2, %mul3A_414 : i32
      %mul3A_416 = arith.constant 128 : i32
      %mul3A_417 = arith.muli %add3A_384, %mul3A_416 : i32
      %add3A_418 = arith.constant 0 : i32
      %add3A_419 = arith.addi %mul3A_417, %add3A_418 : i32
      %get3A_420 = arith.index_cast %add3A_419 : i32 to index
      %get3A_421 = tpu.vector_load %arg5[%get3A_420] {strides = array<i32>} : memref<25600xi32, #tpu.memory_space<vmem>>, vector<16xi32>,
      %get3A_422 = vector.shape_cast %get3A_421 : vector<16xi32> to vector<16xi32>
      %add3A_423 = arith.constant 0 : i32
      %add3A_424 = arith.addi %add3A_415, %add3A_423 : i32
      %add3A_425 = vector.broadcast %add3A_424 : i32 to vector<16xi32>
      %add3A_426 = arith.addi %add3A_425, %iota3A : vector<16xi32>
      %mul3A_427 = arith.constant 2 : i32
      %mul3A_428 = vector.broadcast %mul3A_427 : i32 to vector<16xi32>
      %mul3A_429 = arith.muli %mul3A_428, %add3A_426 : vector<16xi32>
      %add3A_430 = arith.constant 1 : i32
      %add3A_431 = vector.broadcast %add3A_430 : i32 to vector<16xi32>
      %add3A_432 = arith.addi %mul3A_429, %add3A_431 : vector<16xi32>
      %sub3A_433 = arith.subi %add3A_432, %get3A_422 : vector<16xi32>
      %swap3A_434 = arith.constant 1 : i32
      %swap3A_435 = arith.index_cast %swap3A_434 : i32 to index
      %swap3A_436 = arith.constant 0 : index
      %swap3A_437 = tpu.vector_load %arg8[%swap3A_435, %swap3A_436] {strides = array<i32>} : memref<4x128xi32, #tpu.memory_space<vmem>>, vector<1x16xi32>,
      %swap3A_438 = vector.shape_cast %swap3A_437 : vector<1x16xi32> to vector<16xi32>
      %swap3A_439 = vector.shape_cast %sub3A_433 : vector<16xi32> to vector<1x16xi32>
      tpu.vector_store %arg8[%swap3A_435, %swap3A_436], %swap3A_439 {strides = array<i32>} : memref<4x128xi32, #tpu.memory_space<vmem>>, vector<1x16xi32>,
      %add3A_440 = arith.addi %mul3A_429, %get3A_422 : vector<16xi32>
      %swap3A_441 = arith.constant 1 : i32
      %swap3A_442 = arith.index_cast %swap3A_441 : i32 to index
      %swap3A_443 = arith.constant 0 : index
      %swap3A_444 = tpu.vector_load %arg9[%swap3A_442, %swap3A_443] {strides = array<i32>} : memref<4x128xi32, #tpu.memory_space<vmem>>, vector<1x16xi32>,
      %swap3A_445 = vector.shape_cast %swap3A_444 : vector<1x16xi32> to vector<16xi32>
      %swap3A_446 = vector.shape_cast %add3A_440 : vector<16xi32> to vector<1x16xi32>
      tpu.vector_store %arg9[%swap3A_442, %swap3A_443], %swap3A_446 {strides = array<i32>} : memref<4x128xi32, #tpu.memory_space<vmem>>, vector<1x16xi32>,
      %mul3A_447 = arith.constant 128 : i32
      %mul3A_448 = arith.muli %add3A_384, %mul3A_447 : i32
      %add3A_449 = arith.constant 16 : i32
      %add3A_450 = arith.addi %mul3A_448, %add3A_449 : i32
      %get3A_451 = arith.index_cast %add3A_450 : i32 to index
      %get3A_452 = tpu.vector_load %arg5[%get3A_451] {strides = array<i32>} : memref<25600xi32, #tpu.memory_space<vmem>>, vector<16xi32>,
      %get3A_453 = vector.shape_cast %get3A_452 : vector<16xi32> to vector<16xi32>
      %add3A_454 = arith.constant 16 : i32
      %add3A_455 = arith.addi %add3A_415, %add3A_454 : i32
      %add3A_456 = vector.broadcast %add3A_455 : i32 to vector<16xi32>
      %add3A_457 = arith.addi %add3A_456, %iota3A : vector<16xi32>
      %mul3A_458 = arith.constant 2 : i32
      %mul3A_459 = vector.broadcast %mul3A_458 : i32 to vector<16xi32>
      %mul3A_460 = arith.muli %mul3A_459, %add3A_457 : vector<16xi32>
      %add3A_461 = arith.constant 1 : i32
      %add3A_462 = vector.broadcast %add3A_461 : i32 to vector<16xi32>
      %add3A_463 = arith.addi %mul3A_460, %add3A_462 : vector<16xi32>
      %sub3A_464 = arith.subi %add3A_463, %get3A_453 : vector<16xi32>
      %swap3A_465 = arith.constant 1 : i32
      %swap3A_466 = arith.index_cast %swap3A_465 : i32 to index
      %swap3A_467 = arith.constant 16 : index
      %swap3A_468 = tpu.vector_load %arg8[%swap3A_466, %swap3A_467] {strides = array<i32>} : memref<4x128xi32, #tpu.memory_space<vmem>>, vector<1x16xi32>,
      %swap3A_469 = vector.shape_cast %swap3A_468 : vector<1x16xi32> to vector<16xi32>
      %swap3A_470 = vector.shape_cast %sub3A_464 : vector<16xi32> to vector<1x16xi32>
      tpu.vector_store %arg8[%swap3A_466, %swap3A_467], %swap3A_470 {strides = array<i32>} : memref<4x128xi32, #tpu.memory_space<vmem>>, vector<1x16xi32>,
      %add3A_471 = arith.addi %mul3A_460, %get3A_453 : vector<16xi32>
      %swap3A_472 = arith.constant 1 : i32
      %swap3A_473 = arith.index_cast %swap3A_472 : i32 to index
      %swap3A_474 = arith.constant 16 : index
      %swap3A_475 = tpu.vector_load %arg9[%swap3A_473, %swap3A_474] {strides = array<i32>} : memref<4x128xi32, #tpu.memory_space<vmem>>, vector<1x16xi32>,
      %swap3A_476 = vector.shape_cast %swap3A_475 : vector<1x16xi32> to vector<16xi32>
      %swap3A_477 = vector.shape_cast %add3A_471 : vector<16xi32> to vector<1x16xi32>
      tpu.vector_store %arg9[%swap3A_473, %swap3A_474], %swap3A_477 {strides = array<i32>} : memref<4x128xi32, #tpu.memory_space<vmem>>, vector<1x16xi32>,
      %mul3A_478 = arith.constant 128 : i32
      %mul3A_479 = arith.muli %add3A_384, %mul3A_478 : i32
      %add3A_480 = arith.constant 32 : i32
      %add3A_481 = arith.addi %mul3A_479, %add3A_480 : i32
      %get3A_482 = arith.index_cast %add3A_481 : i32 to index
      %get3A_483 = tpu.vector_load %arg5[%get3A_482] {strides = array<i32>} : memref<25600xi32, #tpu.memory_space<vmem>>, vector<16xi32>,
      %get3A_484 = vector.shape_cast %get3A_483 : vector<16xi32> to vector<16xi32>
      %add3A_485 = arith.constant 32 : i32
      %add3A_486 = arith.addi %add3A_415, %add3A_485 : i32
      %add3A_487 = vector.broadcast %add3A_486 : i32 to vector<16xi32>
      %add3A_488 = arith.addi %add3A_487, %iota3A : vector<16xi32>
      %mul3A_489 = arith.constant 2 : i32
      %mul3A_490 = vector.broadcast %mul3A_489 : i32 to vector<16xi32>
      %mul3A_491 = arith.muli %mul3A_490, %add3A_488 : vector<16xi32>
      %add3A_492 = arith.constant 1 : i32
      %add3A_493 = vector.broadcast %add3A_492 : i32 to vector<16xi32>
      %add3A_494 = arith.addi %mul3A_491, %add3A_493 : vector<16xi32>
      %sub3A_495 = arith.subi %add3A_494, %get3A_484 : vector<16xi32>
      %swap3A_496 = arith.constant 1 : i32
      %swap3A_497 = arith.index_cast %swap3A_496 : i32 to index
      %swap3A_498 = arith.constant 32 : index
      %swap3A_499 = tpu.vector_load %arg8[%swap3A_497, %swap3A_498] {strides = array<i32>} : memref<4x128xi32, #tpu.memory_space<vmem>>, vector<1x16xi32>,
      %swap3A_500 = vector.shape_cast %swap3A_499 : vector<1x16xi32> to vector<16xi32>
      %swap3A_501 = vector.shape_cast %sub3A_495 : vector<16xi32> to vector<1x16xi32>
      tpu.vector_store %arg8[%swap3A_497, %swap3A_498], %swap3A_501 {strides = array<i32>} : memref<4x128xi32, #tpu.memory_space<vmem>>, vector<1x16xi32>,
      %add3A_502 = arith.addi %mul3A_491, %get3A_484 : vector<16xi32>
      %swap3A_503 = arith.constant 1 : i32
      %swap3A_504 = arith.index_cast %swap3A_503 : i32 to index
      %swap3A_505 = arith.constant 32 : index
      %swap3A_506 = tpu.vector_load %arg9[%swap3A_504, %swap3A_505] {strides = array<i32>} : memref<4x128xi32, #tpu.memory_space<vmem>>, vector<1x16xi32>,
      %swap3A_507 = vector.shape_cast %swap3A_506 : vector<1x16xi32> to vector<16xi32>
      %swap3A_508 = vector.shape_cast %add3A_502 : vector<16xi32> to vector<1x16xi32>
      tpu.vector_store %arg9[%swap3A_504, %swap3A_505], %swap3A_508 {strides = array<i32>} : memref<4x128xi32, #tpu.memory_space<vmem>>, vector<1x16xi32>,
      %mul3A_509 = arith.constant 128 : i32
      %mul3A_510 = arith.muli %add3A_384, %mul3A_509 : i32
      %add3A_511 = arith.constant 48 : i32
      %add3A_512 = arith.addi %mul3A_510, %add3A_511 : i32
      %get3A_513 = arith.index_cast %add3A_512 : i32 to index
      %get3A_514 = tpu.vector_load %arg5[%get3A_513] {strides = array<i32>} : memref<25600xi32, #tpu.memory_space<vmem>>, vector<16xi32>,
      %get3A_515 = vector.shape_cast %get3A_514 : vector<16xi32> to vector<16xi32>
      %add3A_516 = arith.constant 48 : i32
      %add3A_517 = arith.addi %add3A_415, %add3A_516 : i32
      %add3A_518 = vector.broadcast %add3A_517 : i32 to vector<16xi32>
      %add3A_519 = arith.addi %add3A_518, %iota3A : vector<16xi32>
      %mul3A_520 = arith.constant 2 : i32
      %mul3A_521 = vector.broadcast %mul3A_520 : i32 to vector<16xi32>
      %mul3A_522 = arith.muli %mul3A_521, %add3A_519 : vector<16xi32>
      %add3A_523 = arith.constant 1 : i32
      %add3A_524 = vector.broadcast %add3A_523 : i32 to vector<16xi32>
      %add3A_525 = arith.addi %mul3A_522, %add3A_524 : vector<16xi32>
      %sub3A_526 = arith.subi %add3A_525, %get3A_515 : vector<16xi32>
      %swap3A_527 = arith.constant 1 : i32
      %swap3A_528 = arith.index_cast %swap3A_527 : i32 to index
      %swap3A_529 = arith.constant 48 : index
      %swap3A_530 = tpu.vector_load %arg8[%swap3A_528, %swap3A_529] {strides = array<i32>} : memref<4x128xi32, #tpu.memory_space<vmem>>, vector<1x16xi32>,
      %swap3A_531 = vector.shape_cast %swap3A_530 : vector<1x16xi32> to vector<16xi32>
      %swap3A_532 = vector.shape_cast %sub3A_526 : vector<16xi32> to vector<1x16xi32>
      tpu.vector_store %arg8[%swap3A_528, %swap3A_529], %swap3A_532 {strides = array<i32>} : memref<4x128xi32, #tpu.memory_space<vmem>>, vector<1x16xi32>,
      %add3A_533 = arith.addi %mul3A_522, %get3A_515 : vector<16xi32>
      %swap3A_534 = arith.constant 1 : i32
      %swap3A_535 = arith.index_cast %swap3A_534 : i32 to index
      %swap3A_536 = arith.constant 48 : index
      %swap3A_537 = tpu.vector_load %arg9[%swap3A_535, %swap3A_536] {strides = array<i32>} : memref<4x128xi32, #tpu.memory_space<vmem>>, vector<1x16xi32>,
      %swap3A_538 = vector.shape_cast %swap3A_537 : vector<1x16xi32> to vector<16xi32>
      %swap3A_539 = vector.shape_cast %add3A_533 : vector<16xi32> to vector<1x16xi32>
      tpu.vector_store %arg9[%swap3A_535, %swap3A_536], %swap3A_539 {strides = array<i32>} : memref<4x128xi32, #tpu.memory_space<vmem>>, vector<1x16xi32>,
      %mul3A_540 = arith.constant 128 : i32
      %mul3A_541 = arith.muli %add3A_384, %mul3A_540 : i32
      %add3A_542 = arith.constant 64 : i32
      %add3A_543 = arith.addi %mul3A_541, %add3A_542 : i32
      %get3A_544 = arith.index_cast %add3A_543 : i32 to index
      %get3A_545 = tpu.vector_load %arg5[%get3A_544] {strides = array<i32>} : memref<25600xi32, #tpu.memory_space<vmem>>, vector<16xi32>,
      %get3A_546 = vector.shape_cast %get3A_545 : vector<16xi32> to vector<16xi32>
      %add3A_547 = arith.constant 64 : i32
      %add3A_548 = arith.addi %add3A_415, %add3A_547 : i32
      %add3A_549 = vector.broadcast %add3A_548 : i32 to vector<16xi32>
      %add3A_550 = arith.addi %add3A_549, %iota3A : vector<16xi32>
      %mul3A_551 = arith.constant 2 : i32
      %mul3A_552 = vector.broadcast %mul3A_551 : i32 to vector<16xi32>
      %mul3A_553 = arith.muli %mul3A_552, %add3A_550 : vector<16xi32>
      %add3A_554 = arith.constant 1 : i32
      %add3A_555 = vector.broadcast %add3A_554 : i32 to vector<16xi32>
      %add3A_556 = arith.addi %mul3A_553, %add3A_555 : vector<16xi32>
      %sub3A_557 = arith.subi %add3A_556, %get3A_546 : vector<16xi32>
      %swap3A_558 = arith.constant 1 : i32
      %swap3A_559 = arith.index_cast %swap3A_558 : i32 to index
      %swap3A_560 = arith.constant 64 : index
      %swap3A_561 = tpu.vector_load %arg8[%swap3A_559, %swap3A_560] {strides = array<i32>} : memref<4x128xi32, #tpu.memory_space<vmem>>, vector<1x16xi32>,
      %swap3A_562 = vector.shape_cast %swap3A_561 : vector<1x16xi32> to vector<16xi32>
      %swap3A_563 = vector.shape_cast %sub3A_557 : vector<16xi32> to vector<1x16xi32>
      tpu.vector_store %arg8[%swap3A_559, %swap3A_560], %swap3A_563 {strides = array<i32>} : memref<4x128xi32, #tpu.memory_space<vmem>>, vector<1x16xi32>,
      %add3A_564 = arith.addi %mul3A_553, %get3A_546 : vector<16xi32>
      %swap3A_565 = arith.constant 1 : i32
      %swap3A_566 = arith.index_cast %swap3A_565 : i32 to index
      %swap3A_567 = arith.constant 64 : index
      %swap3A_568 = tpu.vector_load %arg9[%swap3A_566, %swap3A_567] {strides = array<i32>} : memref<4x128xi32, #tpu.memory_space<vmem>>, vector<1x16xi32>,
      %swap3A_569 = vector.shape_cast %swap3A_568 : vector<1x16xi32> to vector<16xi32>
      %swap3A_570 = vector.shape_cast %add3A_564 : vector<16xi32> to vector<1x16xi32>
      tpu.vector_store %arg9[%swap3A_566, %swap3A_567], %swap3A_570 {strides = array<i32>} : memref<4x128xi32, #tpu.memory_space<vmem>>, vector<1x16xi32>,
      %mul3A_571 = arith.constant 128 : i32
      %mul3A_572 = arith.muli %add3A_384, %mul3A_571 : i32
      %add3A_573 = arith.constant 80 : i32
      %add3A_574 = arith.addi %mul3A_572, %add3A_573 : i32
      %get3A_575 = arith.index_cast %add3A_574 : i32 to index
      %get3A_576 = tpu.vector_load %arg5[%get3A_575] {strides = array<i32>} : memref<25600xi32, #tpu.memory_space<vmem>>, vector<16xi32>,
      %get3A_577 = vector.shape_cast %get3A_576 : vector<16xi32> to vector<16xi32>
      %add3A_578 = arith.constant 80 : i32
      %add3A_579 = arith.addi %add3A_415, %add3A_578 : i32
      %add3A_580 = vector.broadcast %add3A_579 : i32 to vector<16xi32>
      %add3A_581 = arith.addi %add3A_580, %iota3A : vector<16xi32>
      %mul3A_582 = arith.constant 2 : i32
      %mul3A_583 = vector.broadcast %mul3A_582 : i32 to vector<16xi32>
      %mul3A_584 = arith.muli %mul3A_583, %add3A_581 : vector<16xi32>
      %add3A_585 = arith.constant 1 : i32
      %add3A_586 = vector.broadcast %add3A_585 : i32 to vector<16xi32>
      %add3A_587 = arith.addi %mul3A_584, %add3A_586 : vector<16xi32>
      %sub3A_588 = arith.subi %add3A_587, %get3A_577 : vector<16xi32>
      %swap3A_589 = arith.constant 1 : i32
      %swap3A_590 = arith.index_cast %swap3A_589 : i32 to index
      %swap3A_591 = arith.constant 80 : index
      %swap3A_592 = tpu.vector_load %arg8[%swap3A_590, %swap3A_591] {strides = array<i32>} : memref<4x128xi32, #tpu.memory_space<vmem>>, vector<1x16xi32>,
      %swap3A_593 = vector.shape_cast %swap3A_592 : vector<1x16xi32> to vector<16xi32>
      %swap3A_594 = vector.shape_cast %sub3A_588 : vector<16xi32> to vector<1x16xi32>
      tpu.vector_store %arg8[%swap3A_590, %swap3A_591], %swap3A_594 {strides = array<i32>} : memref<4x128xi32, #tpu.memory_space<vmem>>, vector<1x16xi32>,
      %add3A_595 = arith.addi %mul3A_584, %get3A_577 : vector<16xi32>
      %swap3A_596 = arith.constant 1 : i32
      %swap3A_597 = arith.index_cast %swap3A_596 : i32 to index
      %swap3A_598 = arith.constant 80 : index
      %swap3A_599 = tpu.vector_load %arg9[%swap3A_597, %swap3A_598] {strides = array<i32>} : memref<4x128xi32, #tpu.memory_space<vmem>>, vector<1x16xi32>,
      %swap3A_600 = vector.shape_cast %swap3A_599 : vector<1x16xi32> to vector<16xi32>
      %swap3A_601 = vector.shape_cast %add3A_595 : vector<16xi32> to vector<1x16xi32>
      tpu.vector_store %arg9[%swap3A_597, %swap3A_598], %swap3A_601 {strides = array<i32>} : memref<4x128xi32, #tpu.memory_space<vmem>>, vector<1x16xi32>,
      %mul3A_602 = arith.constant 128 : i32
      %mul3A_603 = arith.muli %add3A_384, %mul3A_602 : i32
      %add3A_604 = arith.constant 96 : i32
      %add3A_605 = arith.addi %mul3A_603, %add3A_604 : i32
      %get3A_606 = arith.index_cast %add3A_605 : i32 to index
      %get3A_607 = tpu.vector_load %arg5[%get3A_606] {strides = array<i32>} : memref<25600xi32, #tpu.memory_space<vmem>>, vector<16xi32>,
      %get3A_608 = vector.shape_cast %get3A_607 : vector<16xi32> to vector<16xi32>
      %add3A_609 = arith.constant 96 : i32
      %add3A_610 = arith.addi %add3A_415, %add3A_609 : i32
      %add3A_611 = vector.broadcast %add3A_610 : i32 to vector<16xi32>
      %add3A_612 = arith.addi %add3A_611, %iota3A : vector<16xi32>
      %mul3A_613 = arith.constant 2 : i32
      %mul3A_614 = vector.broadcast %mul3A_613 : i32 to vector<16xi32>
      %mul3A_615 = arith.muli %mul3A_614, %add3A_612 : vector<16xi32>
      %add3A_616 = arith.constant 1 : i32
      %add3A_617 = vector.broadcast %add3A_616 : i32 to vector<16xi32>
      %add3A_618 = arith.addi %mul3A_615, %add3A_617 : vector<16xi32>
      %sub3A_619 = arith.subi %add3A_618, %get3A_608 : vector<16xi32>
      %swap3A_620 = arith.constant 1 : i32
      %swap3A_621 = arith.index_cast %swap3A_620 : i32 to index
      %swap3A_622 = arith.constant 96 : index
      %swap3A_623 = tpu.vector_load %arg8[%swap3A_621, %swap3A_622] {strides = array<i32>} : memref<4x128xi32, #tpu.memory_space<vmem>>, vector<1x16xi32>,
      %swap3A_624 = vector.shape_cast %swap3A_623 : vector<1x16xi32> to vector<16xi32>
      %swap3A_625 = vector.shape_cast %sub3A_619 : vector<16xi32> to vector<1x16xi32>
      tpu.vector_store %arg8[%swap3A_621, %swap3A_622], %swap3A_625 {strides = array<i32>} : memref<4x128xi32, #tpu.memory_space<vmem>>, vector<1x16xi32>,
      %add3A_626 = arith.addi %mul3A_615, %get3A_608 : vector<16xi32>
      %swap3A_627 = arith.constant 1 : i32
      %swap3A_628 = arith.index_cast %swap3A_627 : i32 to index
      %swap3A_629 = arith.constant 96 : index
      %swap3A_630 = tpu.vector_load %arg9[%swap3A_628, %swap3A_629] {strides = array<i32>} : memref<4x128xi32, #tpu.memory_space<vmem>>, vector<1x16xi32>,
      %swap3A_631 = vector.shape_cast %swap3A_630 : vector<1x16xi32> to vector<16xi32>
      %swap3A_632 = vector.shape_cast %add3A_626 : vector<16xi32> to vector<1x16xi32>
      tpu.vector_store %arg9[%swap3A_628, %swap3A_629], %swap3A_632 {strides = array<i32>} : memref<4x128xi32, #tpu.memory_space<vmem>>, vector<1x16xi32>,
      %mul3A_633 = arith.constant 128 : i32
      %mul3A_634 = arith.muli %add3A_384, %mul3A_633 : i32
      %add3A_635 = arith.constant 112 : i32
      %add3A_636 = arith.addi %mul3A_634, %add3A_635 : i32
      %get3A_637 = arith.index_cast %add3A_636 : i32 to index
      %get3A_638 = tpu.vector_load %arg5[%get3A_637] {strides = array<i32>} : memref<25600xi32, #tpu.memory_space<vmem>>, vector<16xi32>,
      %get3A_639 = vector.shape_cast %get3A_638 : vector<16xi32> to vector<16xi32>
      %add3A_640 = arith.constant 112 : i32
      %add3A_641 = arith.addi %add3A_415, %add3A_640 : i32
      %add3A_642 = vector.broadcast %add3A_641 : i32 to vector<16xi32>
      %add3A_643 = arith.addi %add3A_642, %iota3A : vector<16xi32>
      %mul3A_644 = arith.constant 2 : i32
      %mul3A_645 = vector.broadcast %mul3A_644 : i32 to vector<16xi32>
      %mul3A_646 = arith.muli %mul3A_645, %add3A_643 : vector<16xi32>
      %add3A_647 = arith.constant 1 : i32
      %add3A_648 = vector.broadcast %add3A_647 : i32 to vector<16xi32>
      %add3A_649 = arith.addi %mul3A_646, %add3A_648 : vector<16xi32>
      %sub3A_650 = arith.subi %add3A_649, %get3A_639 : vector<16xi32>
      %swap3A_651 = arith.constant 1 : i32
      %swap3A_652 = arith.index_cast %swap3A_651 : i32 to index
      %swap3A_653 = arith.constant 112 : index
      %swap3A_654 = tpu.vector_load %arg8[%swap3A_652, %swap3A_653] {strides = array<i32>} : memref<4x128xi32, #tpu.memory_space<vmem>>, vector<1x16xi32>,
      %swap3A_655 = vector.shape_cast %swap3A_654 : vector<1x16xi32> to vector<16xi32>
      %swap3A_656 = vector.shape_cast %sub3A_650 : vector<16xi32> to vector<1x16xi32>
      tpu.vector_store %arg8[%swap3A_652, %swap3A_653], %swap3A_656 {strides = array<i32>} : memref<4x128xi32, #tpu.memory_space<vmem>>, vector<1x16xi32>,
      %add3A_657 = arith.addi %mul3A_646, %get3A_639 : vector<16xi32>
      %swap3A_658 = arith.constant 1 : i32
      %swap3A_659 = arith.index_cast %swap3A_658 : i32 to index
      %swap3A_660 = arith.constant 112 : index
      %swap3A_661 = tpu.vector_load %arg9[%swap3A_659, %swap3A_660] {strides = array<i32>} : memref<4x128xi32, #tpu.memory_space<vmem>>, vector<1x16xi32>,
      %swap3A_662 = vector.shape_cast %swap3A_661 : vector<1x16xi32> to vector<16xi32>
      %swap3A_663 = vector.shape_cast %add3A_657 : vector<16xi32> to vector<1x16xi32>
      tpu.vector_store %arg9[%swap3A_659, %swap3A_660], %swap3A_663 {strides = array<i32>} : memref<4x128xi32, #tpu.memory_space<vmem>>, vector<1x16xi32>,
      %dma_start3A_664 = arith.constant 1 : i32
      %dma_start3A_665 = arith.constant 1 : i32
      %dma_start3A_666 = arith.constant 0 : i32
      %dma_start3A_667 = arith.constant 0 : i32
      %dma_start3A_668 = tpu.memref_slice %arg6[%dma_start3A_664, %dma_start3A_666, %dma_start3A_667] : memref<4x128x128xf32, #tpu.memory_space<vmem>> -> memref<1x128x128xf32, #tpu.memory_space<vmem>>
      %dma_start3A_669 = tpu.memref_squeeze %dma_start3A_668 : memref<1x128x128xf32, #tpu.memory_space<vmem>> -> memref<128x128xf32, #tpu.memory_space<vmem>>
      %dma_start3A_670 = arith.constant 0 : i32
      %dma_start3A_671 = tpu.memref_slice %arg8[%dma_start3A_665, %dma_start3A_670] : memref<4x128xi32, #tpu.memory_space<vmem>> -> memref<1x128xi32, #tpu.memory_space<vmem>>
      %dma_start3A_672 = tpu.memref_squeeze %dma_start3A_671 : memref<1x128xi32, #tpu.memory_space<vmem>> -> memref<128xi32, #tpu.memory_space<vmem>>
      %dma_start3A_673 = arith.constant 0 : i32
      %dma_start3A_674 = arith.constant 0 : i32
      %dma_start3A_675 = tpu.memref_slice %arg4[%dma_start3A_673, %dma_start3A_674] : memref<1638400x128xf32, #tpu.memory_space<hbm>> -> memref<1638400x128xf32, #tpu.memory_space<hbm>>
      tpu.enqueue_indirect_dma source(%dma_start3A_669 : memref<128x128xf32, #tpu.memory_space<vmem>>) target(%dma_start3A_675 : memref<1638400x128xf32, #tpu.memory_space<hbm>>) offsets(%dma_start3A_672 : memref<128xi32, #tpu.memory_space<vmem>>) semaphore(%arg15 : memref<!tpu.dma_semaphore, #tpu.memory_space<semaphore_mem>>)
      %dma_start3A_676 = arith.constant 1 : i32
      %dma_start3A_677 = arith.constant 0 : i32
      %dma_start3A_678 = tpu.memref_slice %arg9[%dma_start3A_676, %dma_start3A_677] : memref<4x128xi32, #tpu.memory_space<vmem>> -> memref<1x128xi32, #tpu.memory_space<vmem>>
      %dma_start3A_679 = tpu.memref_squeeze %dma_start3A_678 : memref<1x128xi32, #tpu.memory_space<vmem>> -> memref<128xi32, #tpu.memory_space<vmem>>
      %dma_start3A_680 = arith.constant 0 : i32
      %dma_start3A_681 = arith.constant 0 : i32
      %dma_start3A_682 = tpu.memref_slice %arg4[%dma_start3A_680, %dma_start3A_681] : memref<1638400x128xf32, #tpu.memory_space<hbm>> -> memref<1638400x128xf32, #tpu.memory_space<hbm>>
      tpu.enqueue_indirect_dma source(%arg7 : memref<128x128xf32, #tpu.memory_space<vmem>>) target(%dma_start3A_682 : memref<1638400x128xf32, #tpu.memory_space<hbm>>) offsets(%dma_start3A_679 : memref<128xi32, #tpu.memory_space<vmem>>) semaphore(%arg19 : memref<!tpu.dma_semaphore, #tpu.memory_space<semaphore_mem>>)
      %mul3A_683 = arith.constant 4 : i32
      %mul3A_684 = arith.muli %scan3A_85, %mul3A_683 : i32
      %add3A_685 = arith.constant 2 : i32
      %add3A_686 = arith.addi %mul3A_684, %add3A_685 : i32
      %ge3A_687 = arith.constant 2 : i32
      %ge3A_688 = arith.cmpi sge, %add3A_686, %ge3A_687 : i32
      %convert_element_type3A_689 = arith.extui %ge3A_688 : i1 to i32
      %cond3A_690 = arith.constant 0 : i32
      %cond3A_691 = arith.cmpi ne, %convert_element_type3A_689, %cond3A_690 : i32
      scf.if %cond3A_691 {
        %dma_wait3A_1287 = arith.constant 0 : i32
        %dma_wait3A_1288 = arith.constant 0 : i32
        %dma_wait3A_1289 = arith.constant 0 : i32
        %dma_wait3A_1290 = arith.constant 0 : i32
        %dma_wait3A_1291 = tpu.memref_slice %arg6[%dma_wait3A_1287, %dma_wait3A_1289, %dma_wait3A_1290] : memref<4x128x128xf32, #tpu.memory_space<vmem>> -> memref<1x128x128xf32, #tpu.memory_space<vmem>>
        %dma_wait3A_1292 = tpu.memref_squeeze %dma_wait3A_1291 : memref<1x128x128xf32, #tpu.memory_space<vmem>> -> memref<128x128xf32, #tpu.memory_space<vmem>>
        %dma_wait3A_1293 = arith.constant 0 : i32
        %dma_wait3A_1294 = tpu.memref_slice %arg8[%dma_wait3A_1288, %dma_wait3A_1293] : memref<4x128xi32, #tpu.memory_space<vmem>> -> memref<1x128xi32, #tpu.memory_space<vmem>>
        %dma_wait3A_1295 = tpu.memref_squeeze %dma_wait3A_1294 : memref<1x128xi32, #tpu.memory_space<vmem>> -> memref<128xi32, #tpu.memory_space<vmem>>
        %dma_wait3A_1296 = arith.constant 0 : i32
        %dma_wait3A_1297 = arith.constant 0 : i32
        %dma_wait3A_1298 = tpu.memref_slice %arg4[%dma_wait3A_1296, %dma_wait3A_1297] : memref<1638400x128xf32, #tpu.memory_space<hbm>> -> memref<1638400x128xf32, #tpu.memory_space<hbm>>
        tpu.wait_indirect_dma semaphore(%arg14 : memref<!tpu.dma_semaphore, #tpu.memory_space<semaphore_mem>>) src(%dma_wait3A_1292 : memref<128x128xf32, #tpu.memory_space<vmem>>) dst(%dma_wait3A_1298 : memref<1638400x128xf32, #tpu.memory_space<hbm>>)
        %dma_wait3A_1299 = arith.constant 0 : i32
        %dma_wait3A_1300 = arith.constant 0 : i32
        %dma_wait3A_1301 = tpu.memref_slice %arg9[%dma_wait3A_1299, %dma_wait3A_1300] : memref<4x128xi32, #tpu.memory_space<vmem>> -> memref<1x128xi32, #tpu.memory_space<vmem>>
        %dma_wait3A_1302 = tpu.memref_squeeze %dma_wait3A_1301 : memref<1x128xi32, #tpu.memory_space<vmem>> -> memref<128xi32, #tpu.memory_space<vmem>>
        %dma_wait3A_1303 = arith.constant 0 : i32
        %dma_wait3A_1304 = arith.constant 0 : i32
        %dma_wait3A_1305 = tpu.memref_slice %arg4[%dma_wait3A_1303, %dma_wait3A_1304] : memref<1638400x128xf32, #tpu.memory_space<hbm>> -> memref<1638400x128xf32, #tpu.memory_space<hbm>>
        tpu.wait_indirect_dma semaphore(%arg18 : memref<!tpu.dma_semaphore, #tpu.memory_space<semaphore_mem>>) src(%arg7 : memref<128x128xf32, #tpu.memory_space<vmem>>) dst(%dma_wait3A_1305 : memref<1638400x128xf32, #tpu.memory_space<hbm>>)
      } else {
      }
      %add3A_692 = arith.constant 2 : i32
      %add3A_693 = arith.addi %add3A_686, %add3A_692 : i32
      %lt3A_694 = arith.constant 200 : i32
      %lt3A_695 = arith.cmpi slt, %add3A_693, %lt3A_694 : i32
      %convert_element_type3A_696 = arith.extui %lt3A_695 : i1 to i32
      %cond3A_697 = arith.constant 0 : i32
      %cond3A_698 = arith.cmpi ne, %convert_element_type3A_696, %cond3A_697 : i32
      scf.if %cond3A_698 {
        %add3A_1287 = arith.constant 2 : i32
        %add3A_1288 = arith.addi %add3A_686, %add3A_1287 : i32
        %mul3A_1289 = arith.constant 128 : i32
        %mul3A_1290 = arith.muli %add3A_1288, %mul3A_1289 : i32
        %add3A_1291 = arith.addi %mul3A_2, %mul3A_1290 : i32
        %dma_start3A_1292 = arith.constant 0 : i32
        %dma_start3A_1293 = arith.constant 0 : i32
        %dma_start3A_1294 = arith.constant 0 : i32
        %dma_start3A_1295 = tpu.memref_slice %arg6[%dma_start3A_1292, %dma_start3A_1293, %dma_start3A_1294] : memref<4x128x128xf32, #tpu.memory_space<vmem>> -> memref<1x128x128xf32, #tpu.memory_space<vmem>>
        %dma_start3A_1296 = tpu.memref_squeeze %dma_start3A_1295 : memref<1x128x128xf32, #tpu.memory_space<vmem>> -> memref<128x128xf32, #tpu.memory_space<vmem>>
        %dma_start3A_1297 = arith.constant 0 : i32
        %dma_start3A_1298 = tpu.memref_slice %arg2[%add3A_1291, %dma_start3A_1297] : memref<819200x128xf32, #tpu.memory_space<hbm>> -> memref<128x128xf32, #tpu.memory_space<hbm>>
        %dma_start3A_1299 = arith.constant 0 : i32
        %dma_start3A_1300 = arith.constant 0 : i32
        %dma_start3A_1301 = tpu.memref_slice %arg6[%dma_start3A_1292, %dma_start3A_1299, %dma_start3A_1300] : memref<4x128x128xf32, #tpu.memory_space<vmem>> -> memref<1x128x128xf32, #tpu.memory_space<vmem>>
        %dma_start3A_1302 = tpu.memref_squeeze %dma_start3A_1301 : memref<1x128x128xf32, #tpu.memory_space<vmem>> -> memref<128x128xf32, #tpu.memory_space<vmem>>
        %dma_start3A_1303 = arith.constant 0 : i32
        %dma_start3A_1304 = tpu.memref_slice %arg2[%add3A_1291, %dma_start3A_1303] : memref<819200x128xf32, #tpu.memory_space<hbm>> -> memref<128x128xf32, #tpu.memory_space<hbm>>
        tpu.enqueue_dma source(%dma_start3A_1304 : memref<128x128xf32, #tpu.memory_space<hbm>>) target(%dma_start3A_1302 : memref<128x128xf32, #tpu.memory_space<vmem>>) target_semaphore(%arg10 : memref<!tpu.dma_semaphore, #tpu.memory_space<semaphore_mem>>)
      } else {
      }
      %mul3A_699 = arith.constant 128 : i32
      %mul3A_700 = arith.muli %add3A_686, %mul3A_699 : i32
      %add3A_701 = arith.addi %mul3A_2, %mul3A_700 : i32
      %dma_wait3A_702 = arith.constant 2 : i32
      %dma_wait3A_703 = arith.constant 0 : i32
      %dma_wait3A_704 = arith.constant 0 : i32
      %dma_wait3A_705 = tpu.memref_slice %arg6[%dma_wait3A_702, %dma_wait3A_703, %dma_wait3A_704] : memref<4x128x128xf32, #tpu.memory_space<vmem>> -> memref<1x128x128xf32, #tpu.memory_space<vmem>>
      %dma_wait3A_706 = tpu.memref_squeeze %dma_wait3A_705 : memref<1x128x128xf32, #tpu.memory_space<vmem>> -> memref<128x128xf32, #tpu.memory_space<vmem>>
      %dma_wait3A_707 = arith.constant 0 : i32
      %dma_wait3A_708 = tpu.memref_slice %arg2[%add3A_701, %dma_wait3A_707] : memref<819200x128xf32, #tpu.memory_space<hbm>> -> memref<128x128xf32, #tpu.memory_space<hbm>>
      %dma_wait3A_709 = arith.constant 0 : i32
      %dma_wait3A_710 = arith.constant 0 : i32
      %dma_wait3A_711 = tpu.memref_slice %arg6[%dma_wait3A_702, %dma_wait3A_709, %dma_wait3A_710] : memref<4x128x128xf32, #tpu.memory_space<vmem>> -> memref<1x128x128xf32, #tpu.memory_space<vmem>>
      %dma_wait3A_712 = tpu.memref_squeeze %dma_wait3A_711 : memref<1x128x128xf32, #tpu.memory_space<vmem>> -> memref<128x128xf32, #tpu.memory_space<vmem>>
      %dma_wait3A_713 = arith.constant 0 : i32
      %dma_wait3A_714 = tpu.memref_slice %arg2[%add3A_701, %dma_wait3A_713] : memref<819200x128xf32, #tpu.memory_space<hbm>> -> memref<128x128xf32, #tpu.memory_space<hbm>>
      tpu.wait_dma2 semaphore(%arg12 : memref<!tpu.dma_semaphore, #tpu.memory_space<semaphore_mem>>) src(%dma_wait3A_714 : memref<128x128xf32, #tpu.memory_space<hbm>>) dst(%dma_wait3A_712 : memref<128x128xf32, #tpu.memory_space<vmem>>)
      %mul3A_715 = arith.constant 128 : i32
      %mul3A_716 = arith.muli %add3A_686, %mul3A_715 : i32
      %add3A_717 = arith.addi %mul3A_2, %mul3A_716 : i32
      %mul3A_718 = arith.constant 128 : i32
      %mul3A_719 = arith.muli %add3A_686, %mul3A_718 : i32
      %add3A_720 = arith.constant 0 : i32
      %add3A_721 = arith.addi %mul3A_719, %add3A_720 : i32
      %get3A_722 = arith.index_cast %add3A_721 : i32 to index
      %get3A_723 = tpu.vector_load %arg5[%get3A_722] {strides = array<i32>} : memref<25600xi32, #tpu.memory_space<vmem>>, vector<16xi32>,
      %get3A_724 = vector.shape_cast %get3A_723 : vector<16xi32> to vector<16xi32>
      %add3A_725 = arith.constant 0 : i32
      %add3A_726 = arith.addi %add3A_717, %add3A_725 : i32
      %add3A_727 = vector.broadcast %add3A_726 : i32 to vector<16xi32>
      %add3A_728 = arith.addi %add3A_727, %iota3A : vector<16xi32>
      %mul3A_729 = arith.constant 2 : i32
      %mul3A_730 = vector.broadcast %mul3A_729 : i32 to vector<16xi32>
      %mul3A_731 = arith.muli %mul3A_730, %add3A_728 : vector<16xi32>
      %add3A_732 = arith.constant 1 : i32
      %add3A_733 = vector.broadcast %add3A_732 : i32 to vector<16xi32>
      %add3A_734 = arith.addi %mul3A_731, %add3A_733 : vector<16xi32>
      %sub3A_735 = arith.subi %add3A_734, %get3A_724 : vector<16xi32>
      %swap3A_736 = arith.constant 2 : i32
      %swap3A_737 = arith.index_cast %swap3A_736 : i32 to index
      %swap3A_738 = arith.constant 0 : index
      %swap3A_739 = tpu.vector_load %arg8[%swap3A_737, %swap3A_738] {strides = array<i32>} : memref<4x128xi32, #tpu.memory_space<vmem>>, vector<1x16xi32>,
      %swap3A_740 = vector.shape_cast %swap3A_739 : vector<1x16xi32> to vector<16xi32>
      %swap3A_741 = vector.shape_cast %sub3A_735 : vector<16xi32> to vector<1x16xi32>
      tpu.vector_store %arg8[%swap3A_737, %swap3A_738], %swap3A_741 {strides = array<i32>} : memref<4x128xi32, #tpu.memory_space<vmem>>, vector<1x16xi32>,
      %add3A_742 = arith.addi %mul3A_731, %get3A_724 : vector<16xi32>
      %swap3A_743 = arith.constant 2 : i32
      %swap3A_744 = arith.index_cast %swap3A_743 : i32 to index
      %swap3A_745 = arith.constant 0 : index
      %swap3A_746 = tpu.vector_load %arg9[%swap3A_744, %swap3A_745] {strides = array<i32>} : memref<4x128xi32, #tpu.memory_space<vmem>>, vector<1x16xi32>,
      %swap3A_747 = vector.shape_cast %swap3A_746 : vector<1x16xi32> to vector<16xi32>
      %swap3A_748 = vector.shape_cast %add3A_742 : vector<16xi32> to vector<1x16xi32>
      tpu.vector_store %arg9[%swap3A_744, %swap3A_745], %swap3A_748 {strides = array<i32>} : memref<4x128xi32, #tpu.memory_space<vmem>>, vector<1x16xi32>,
      %mul3A_749 = arith.constant 128 : i32
      %mul3A_750 = arith.muli %add3A_686, %mul3A_749 : i32
      %add3A_751 = arith.constant 16 : i32
      %add3A_752 = arith.addi %mul3A_750, %add3A_751 : i32
      %get3A_753 = arith.index_cast %add3A_752 : i32 to index
      %get3A_754 = tpu.vector_load %arg5[%get3A_753] {strides = array<i32>} : memref<25600xi32, #tpu.memory_space<vmem>>, vector<16xi32>,
      %get3A_755 = vector.shape_cast %get3A_754 : vector<16xi32> to vector<16xi32>
      %add3A_756 = arith.constant 16 : i32
      %add3A_757 = arith.addi %add3A_717, %add3A_756 : i32
      %add3A_758 = vector.broadcast %add3A_757 : i32 to vector<16xi32>
      %add3A_759 = arith.addi %add3A_758, %iota3A : vector<16xi32>
      %mul3A_760 = arith.constant 2 : i32
      %mul3A_761 = vector.broadcast %mul3A_760 : i32 to vector<16xi32>
      %mul3A_762 = arith.muli %mul3A_761, %add3A_759 : vector<16xi32>
      %add3A_763 = arith.constant 1 : i32
      %add3A_764 = vector.broadcast %add3A_763 : i32 to vector<16xi32>
      %add3A_765 = arith.addi %mul3A_762, %add3A_764 : vector<16xi32>
      %sub3A_766 = arith.subi %add3A_765, %get3A_755 : vector<16xi32>
      %swap3A_767 = arith.constant 2 : i32
      %swap3A_768 = arith.index_cast %swap3A_767 : i32 to index
      %swap3A_769 = arith.constant 16 : index
      %swap3A_770 = tpu.vector_load %arg8[%swap3A_768, %swap3A_769] {strides = array<i32>} : memref<4x128xi32, #tpu.memory_space<vmem>>, vector<1x16xi32>,
      %swap3A_771 = vector.shape_cast %swap3A_770 : vector<1x16xi32> to vector<16xi32>
      %swap3A_772 = vector.shape_cast %sub3A_766 : vector<16xi32> to vector<1x16xi32>
      tpu.vector_store %arg8[%swap3A_768, %swap3A_769], %swap3A_772 {strides = array<i32>} : memref<4x128xi32, #tpu.memory_space<vmem>>, vector<1x16xi32>,
      %add3A_773 = arith.addi %mul3A_762, %get3A_755 : vector<16xi32>
      %swap3A_774 = arith.constant 2 : i32
      %swap3A_775 = arith.index_cast %swap3A_774 : i32 to index
      %swap3A_776 = arith.constant 16 : index
      %swap3A_777 = tpu.vector_load %arg9[%swap3A_775, %swap3A_776] {strides = array<i32>} : memref<4x128xi32, #tpu.memory_space<vmem>>, vector<1x16xi32>,
      %swap3A_778 = vector.shape_cast %swap3A_777 : vector<1x16xi32> to vector<16xi32>
      %swap3A_779 = vector.shape_cast %add3A_773 : vector<16xi32> to vector<1x16xi32>
      tpu.vector_store %arg9[%swap3A_775, %swap3A_776], %swap3A_779 {strides = array<i32>} : memref<4x128xi32, #tpu.memory_space<vmem>>, vector<1x16xi32>,
      %mul3A_780 = arith.constant 128 : i32
      %mul3A_781 = arith.muli %add3A_686, %mul3A_780 : i32
      %add3A_782 = arith.constant 32 : i32
      %add3A_783 = arith.addi %mul3A_781, %add3A_782 : i32
      %get3A_784 = arith.index_cast %add3A_783 : i32 to index
      %get3A_785 = tpu.vector_load %arg5[%get3A_784] {strides = array<i32>} : memref<25600xi32, #tpu.memory_space<vmem>>, vector<16xi32>,
      %get3A_786 = vector.shape_cast %get3A_785 : vector<16xi32> to vector<16xi32>
      %add3A_787 = arith.constant 32 : i32
      %add3A_788 = arith.addi %add3A_717, %add3A_787 : i32
      %add3A_789 = vector.broadcast %add3A_788 : i32 to vector<16xi32>
      %add3A_790 = arith.addi %add3A_789, %iota3A : vector<16xi32>
      %mul3A_791 = arith.constant 2 : i32
      %mul3A_792 = vector.broadcast %mul3A_791 : i32 to vector<16xi32>
      %mul3A_793 = arith.muli %mul3A_792, %add3A_790 : vector<16xi32>
      %add3A_794 = arith.constant 1 : i32
      %add3A_795 = vector.broadcast %add3A_794 : i32 to vector<16xi32>
      %add3A_796 = arith.addi %mul3A_793, %add3A_795 : vector<16xi32>
      %sub3A_797 = arith.subi %add3A_796, %get3A_786 : vector<16xi32>
      %swap3A_798 = arith.constant 2 : i32
      %swap3A_799 = arith.index_cast %swap3A_798 : i32 to index
      %swap3A_800 = arith.constant 32 : index
      %swap3A_801 = tpu.vector_load %arg8[%swap3A_799, %swap3A_800] {strides = array<i32>} : memref<4x128xi32, #tpu.memory_space<vmem>>, vector<1x16xi32>,
      %swap3A_802 = vector.shape_cast %swap3A_801 : vector<1x16xi32> to vector<16xi32>
      %swap3A_803 = vector.shape_cast %sub3A_797 : vector<16xi32> to vector<1x16xi32>
      tpu.vector_store %arg8[%swap3A_799, %swap3A_800], %swap3A_803 {strides = array<i32>} : memref<4x128xi32, #tpu.memory_space<vmem>>, vector<1x16xi32>,
      %add3A_804 = arith.addi %mul3A_793, %get3A_786 : vector<16xi32>
      %swap3A_805 = arith.constant 2 : i32
      %swap3A_806 = arith.index_cast %swap3A_805 : i32 to index
      %swap3A_807 = arith.constant 32 : index
      %swap3A_808 = tpu.vector_load %arg9[%swap3A_806, %swap3A_807] {strides = array<i32>} : memref<4x128xi32, #tpu.memory_space<vmem>>, vector<1x16xi32>,
      %swap3A_809 = vector.shape_cast %swap3A_808 : vector<1x16xi32> to vector<16xi32>
      %swap3A_810 = vector.shape_cast %add3A_804 : vector<16xi32> to vector<1x16xi32>
      tpu.vector_store %arg9[%swap3A_806, %swap3A_807], %swap3A_810 {strides = array<i32>} : memref<4x128xi32, #tpu.memory_space<vmem>>, vector<1x16xi32>,
      %mul3A_811 = arith.constant 128 : i32
      %mul3A_812 = arith.muli %add3A_686, %mul3A_811 : i32
      %add3A_813 = arith.constant 48 : i32
      %add3A_814 = arith.addi %mul3A_812, %add3A_813 : i32
      %get3A_815 = arith.index_cast %add3A_814 : i32 to index
      %get3A_816 = tpu.vector_load %arg5[%get3A_815] {strides = array<i32>} : memref<25600xi32, #tpu.memory_space<vmem>>, vector<16xi32>,
      %get3A_817 = vector.shape_cast %get3A_816 : vector<16xi32> to vector<16xi32>
      %add3A_818 = arith.constant 48 : i32
      %add3A_819 = arith.addi %add3A_717, %add3A_818 : i32
      %add3A_820 = vector.broadcast %add3A_819 : i32 to vector<16xi32>
      %add3A_821 = arith.addi %add3A_820, %iota3A : vector<16xi32>
      %mul3A_822 = arith.constant 2 : i32
      %mul3A_823 = vector.broadcast %mul3A_822 : i32 to vector<16xi32>
      %mul3A_824 = arith.muli %mul3A_823, %add3A_821 : vector<16xi32>
      %add3A_825 = arith.constant 1 : i32
      %add3A_826 = vector.broadcast %add3A_825 : i32 to vector<16xi32>
      %add3A_827 = arith.addi %mul3A_824, %add3A_826 : vector<16xi32>
      %sub3A_828 = arith.subi %add3A_827, %get3A_817 : vector<16xi32>
      %swap3A_829 = arith.constant 2 : i32
      %swap3A_830 = arith.index_cast %swap3A_829 : i32 to index
      %swap3A_831 = arith.constant 48 : index
      %swap3A_832 = tpu.vector_load %arg8[%swap3A_830, %swap3A_831] {strides = array<i32>} : memref<4x128xi32, #tpu.memory_space<vmem>>, vector<1x16xi32>,
      %swap3A_833 = vector.shape_cast %swap3A_832 : vector<1x16xi32> to vector<16xi32>
      %swap3A_834 = vector.shape_cast %sub3A_828 : vector<16xi32> to vector<1x16xi32>
      tpu.vector_store %arg8[%swap3A_830, %swap3A_831], %swap3A_834 {strides = array<i32>} : memref<4x128xi32, #tpu.memory_space<vmem>>, vector<1x16xi32>,
      %add3A_835 = arith.addi %mul3A_824, %get3A_817 : vector<16xi32>
      %swap3A_836 = arith.constant 2 : i32
      %swap3A_837 = arith.index_cast %swap3A_836 : i32 to index
      %swap3A_838 = arith.constant 48 : index
      %swap3A_839 = tpu.vector_load %arg9[%swap3A_837, %swap3A_838] {strides = array<i32>} : memref<4x128xi32, #tpu.memory_space<vmem>>, vector<1x16xi32>,
      %swap3A_840 = vector.shape_cast %swap3A_839 : vector<1x16xi32> to vector<16xi32>
      %swap3A_841 = vector.shape_cast %add3A_835 : vector<16xi32> to vector<1x16xi32>
      tpu.vector_store %arg9[%swap3A_837, %swap3A_838], %swap3A_841 {strides = array<i32>} : memref<4x128xi32, #tpu.memory_space<vmem>>, vector<1x16xi32>,
      %mul3A_842 = arith.constant 128 : i32
      %mul3A_843 = arith.muli %add3A_686, %mul3A_842 : i32
      %add3A_844 = arith.constant 64 : i32
      %add3A_845 = arith.addi %mul3A_843, %add3A_844 : i32
      %get3A_846 = arith.index_cast %add3A_845 : i32 to index
      %get3A_847 = tpu.vector_load %arg5[%get3A_846] {strides = array<i32>} : memref<25600xi32, #tpu.memory_space<vmem>>, vector<16xi32>,
      %get3A_848 = vector.shape_cast %get3A_847 : vector<16xi32> to vector<16xi32>
      %add3A_849 = arith.constant 64 : i32
      %add3A_850 = arith.addi %add3A_717, %add3A_849 : i32
      %add3A_851 = vector.broadcast %add3A_850 : i32 to vector<16xi32>
      %add3A_852 = arith.addi %add3A_851, %iota3A : vector<16xi32>
      %mul3A_853 = arith.constant 2 : i32
      %mul3A_854 = vector.broadcast %mul3A_853 : i32 to vector<16xi32>
      %mul3A_855 = arith.muli %mul3A_854, %add3A_852 : vector<16xi32>
      %add3A_856 = arith.constant 1 : i32
      %add3A_857 = vector.broadcast %add3A_856 : i32 to vector<16xi32>
      %add3A_858 = arith.addi %mul3A_855, %add3A_857 : vector<16xi32>
      %sub3A_859 = arith.subi %add3A_858, %get3A_848 : vector<16xi32>
      %swap3A_860 = arith.constant 2 : i32
      %swap3A_861 = arith.index_cast %swap3A_860 : i32 to index
      %swap3A_862 = arith.constant 64 : index
      %swap3A_863 = tpu.vector_load %arg8[%swap3A_861, %swap3A_862] {strides = array<i32>} : memref<4x128xi32, #tpu.memory_space<vmem>>, vector<1x16xi32>,
      %swap3A_864 = vector.shape_cast %swap3A_863 : vector<1x16xi32> to vector<16xi32>
      %swap3A_865 = vector.shape_cast %sub3A_859 : vector<16xi32> to vector<1x16xi32>
      tpu.vector_store %arg8[%swap3A_861, %swap3A_862], %swap3A_865 {strides = array<i32>} : memref<4x128xi32, #tpu.memory_space<vmem>>, vector<1x16xi32>,
      %add3A_866 = arith.addi %mul3A_855, %get3A_848 : vector<16xi32>
      %swap3A_867 = arith.constant 2 : i32
      %swap3A_868 = arith.index_cast %swap3A_867 : i32 to index
      %swap3A_869 = arith.constant 64 : index
      %swap3A_870 = tpu.vector_load %arg9[%swap3A_868, %swap3A_869] {strides = array<i32>} : memref<4x128xi32, #tpu.memory_space<vmem>>, vector<1x16xi32>,
      %swap3A_871 = vector.shape_cast %swap3A_870 : vector<1x16xi32> to vector<16xi32>
      %swap3A_872 = vector.shape_cast %add3A_866 : vector<16xi32> to vector<1x16xi32>
      tpu.vector_store %arg9[%swap3A_868, %swap3A_869], %swap3A_872 {strides = array<i32>} : memref<4x128xi32, #tpu.memory_space<vmem>>, vector<1x16xi32>,
      %mul3A_873 = arith.constant 128 : i32
      %mul3A_874 = arith.muli %add3A_686, %mul3A_873 : i32
      %add3A_875 = arith.constant 80 : i32
      %add3A_876 = arith.addi %mul3A_874, %add3A_875 : i32
      %get3A_877 = arith.index_cast %add3A_876 : i32 to index
      %get3A_878 = tpu.vector_load %arg5[%get3A_877] {strides = array<i32>} : memref<25600xi32, #tpu.memory_space<vmem>>, vector<16xi32>,
      %get3A_879 = vector.shape_cast %get3A_878 : vector<16xi32> to vector<16xi32>
      %add3A_880 = arith.constant 80 : i32
      %add3A_881 = arith.addi %add3A_717, %add3A_880 : i32
      %add3A_882 = vector.broadcast %add3A_881 : i32 to vector<16xi32>
      %add3A_883 = arith.addi %add3A_882, %iota3A : vector<16xi32>
      %mul3A_884 = arith.constant 2 : i32
      %mul3A_885 = vector.broadcast %mul3A_884 : i32 to vector<16xi32>
      %mul3A_886 = arith.muli %mul3A_885, %add3A_883 : vector<16xi32>
      %add3A_887 = arith.constant 1 : i32
      %add3A_888 = vector.broadcast %add3A_887 : i32 to vector<16xi32>
      %add3A_889 = arith.addi %mul3A_886, %add3A_888 : vector<16xi32>
      %sub3A_890 = arith.subi %add3A_889, %get3A_879 : vector<16xi32>
      %swap3A_891 = arith.constant 2 : i32
      %swap3A_892 = arith.index_cast %swap3A_891 : i32 to index
      %swap3A_893 = arith.constant 80 : index
      %swap3A_894 = tpu.vector_load %arg8[%swap3A_892, %swap3A_893] {strides = array<i32>} : memref<4x128xi32, #tpu.memory_space<vmem>>, vector<1x16xi32>,
      %swap3A_895 = vector.shape_cast %swap3A_894 : vector<1x16xi32> to vector<16xi32>
      %swap3A_896 = vector.shape_cast %sub3A_890 : vector<16xi32> to vector<1x16xi32>
      tpu.vector_store %arg8[%swap3A_892, %swap3A_893], %swap3A_896 {strides = array<i32>} : memref<4x128xi32, #tpu.memory_space<vmem>>, vector<1x16xi32>,
      %add3A_897 = arith.addi %mul3A_886, %get3A_879 : vector<16xi32>
      %swap3A_898 = arith.constant 2 : i32
      %swap3A_899 = arith.index_cast %swap3A_898 : i32 to index
      %swap3A_900 = arith.constant 80 : index
      %swap3A_901 = tpu.vector_load %arg9[%swap3A_899, %swap3A_900] {strides = array<i32>} : memref<4x128xi32, #tpu.memory_space<vmem>>, vector<1x16xi32>,
      %swap3A_902 = vector.shape_cast %swap3A_901 : vector<1x16xi32> to vector<16xi32>
      %swap3A_903 = vector.shape_cast %add3A_897 : vector<16xi32> to vector<1x16xi32>
      tpu.vector_store %arg9[%swap3A_899, %swap3A_900], %swap3A_903 {strides = array<i32>} : memref<4x128xi32, #tpu.memory_space<vmem>>, vector<1x16xi32>,
      %mul3A_904 = arith.constant 128 : i32
      %mul3A_905 = arith.muli %add3A_686, %mul3A_904 : i32
      %add3A_906 = arith.constant 96 : i32
      %add3A_907 = arith.addi %mul3A_905, %add3A_906 : i32
      %get3A_908 = arith.index_cast %add3A_907 : i32 to index
      %get3A_909 = tpu.vector_load %arg5[%get3A_908] {strides = array<i32>} : memref<25600xi32, #tpu.memory_space<vmem>>, vector<16xi32>,
      %get3A_910 = vector.shape_cast %get3A_909 : vector<16xi32> to vector<16xi32>
      %add3A_911 = arith.constant 96 : i32
      %add3A_912 = arith.addi %add3A_717, %add3A_911 : i32
      %add3A_913 = vector.broadcast %add3A_912 : i32 to vector<16xi32>
      %add3A_914 = arith.addi %add3A_913, %iota3A : vector<16xi32>
      %mul3A_915 = arith.constant 2 : i32
      %mul3A_916 = vector.broadcast %mul3A_915 : i32 to vector<16xi32>
      %mul3A_917 = arith.muli %mul3A_916, %add3A_914 : vector<16xi32>
      %add3A_918 = arith.constant 1 : i32
      %add3A_919 = vector.broadcast %add3A_918 : i32 to vector<16xi32>
      %add3A_920 = arith.addi %mul3A_917, %add3A_919 : vector<16xi32>
      %sub3A_921 = arith.subi %add3A_920, %get3A_910 : vector<16xi32>
      %swap3A_922 = arith.constant 2 : i32
      %swap3A_923 = arith.index_cast %swap3A_922 : i32 to index
      %swap3A_924 = arith.constant 96 : index
      %swap3A_925 = tpu.vector_load %arg8[%swap3A_923, %swap3A_924] {strides = array<i32>} : memref<4x128xi32, #tpu.memory_space<vmem>>, vector<1x16xi32>,
      %swap3A_926 = vector.shape_cast %swap3A_925 : vector<1x16xi32> to vector<16xi32>
      %swap3A_927 = vector.shape_cast %sub3A_921 : vector<16xi32> to vector<1x16xi32>
      tpu.vector_store %arg8[%swap3A_923, %swap3A_924], %swap3A_927 {strides = array<i32>} : memref<4x128xi32, #tpu.memory_space<vmem>>, vector<1x16xi32>,
      %add3A_928 = arith.addi %mul3A_917, %get3A_910 : vector<16xi32>
      %swap3A_929 = arith.constant 2 : i32
      %swap3A_930 = arith.index_cast %swap3A_929 : i32 to index
      %swap3A_931 = arith.constant 96 : index
      %swap3A_932 = tpu.vector_load %arg9[%swap3A_930, %swap3A_931] {strides = array<i32>} : memref<4x128xi32, #tpu.memory_space<vmem>>, vector<1x16xi32>,
      %swap3A_933 = vector.shape_cast %swap3A_932 : vector<1x16xi32> to vector<16xi32>
      %swap3A_934 = vector.shape_cast %add3A_928 : vector<16xi32> to vector<1x16xi32>
      tpu.vector_store %arg9[%swap3A_930, %swap3A_931], %swap3A_934 {strides = array<i32>} : memref<4x128xi32, #tpu.memory_space<vmem>>, vector<1x16xi32>,
      %mul3A_935 = arith.constant 128 : i32
      %mul3A_936 = arith.muli %add3A_686, %mul3A_935 : i32
      %add3A_937 = arith.constant 112 : i32
      %add3A_938 = arith.addi %mul3A_936, %add3A_937 : i32
      %get3A_939 = arith.index_cast %add3A_938 : i32 to index
      %get3A_940 = tpu.vector_load %arg5[%get3A_939] {strides = array<i32>} : memref<25600xi32, #tpu.memory_space<vmem>>, vector<16xi32>,
      %get3A_941 = vector.shape_cast %get3A_940 : vector<16xi32> to vector<16xi32>
      %add3A_942 = arith.constant 112 : i32
      %add3A_943 = arith.addi %add3A_717, %add3A_942 : i32
      %add3A_944 = vector.broadcast %add3A_943 : i32 to vector<16xi32>
      %add3A_945 = arith.addi %add3A_944, %iota3A : vector<16xi32>
      %mul3A_946 = arith.constant 2 : i32
      %mul3A_947 = vector.broadcast %mul3A_946 : i32 to vector<16xi32>
      %mul3A_948 = arith.muli %mul3A_947, %add3A_945 : vector<16xi32>
      %add3A_949 = arith.constant 1 : i32
      %add3A_950 = vector.broadcast %add3A_949 : i32 to vector<16xi32>
      %add3A_951 = arith.addi %mul3A_948, %add3A_950 : vector<16xi32>
      %sub3A_952 = arith.subi %add3A_951, %get3A_941 : vector<16xi32>
      %swap3A_953 = arith.constant 2 : i32
      %swap3A_954 = arith.index_cast %swap3A_953 : i32 to index
      %swap3A_955 = arith.constant 112 : index
      %swap3A_956 = tpu.vector_load %arg8[%swap3A_954, %swap3A_955] {strides = array<i32>} : memref<4x128xi32, #tpu.memory_space<vmem>>, vector<1x16xi32>,
      %swap3A_957 = vector.shape_cast %swap3A_956 : vector<1x16xi32> to vector<16xi32>
      %swap3A_958 = vector.shape_cast %sub3A_952 : vector<16xi32> to vector<1x16xi32>
      tpu.vector_store %arg8[%swap3A_954, %swap3A_955], %swap3A_958 {strides = array<i32>} : memref<4x128xi32, #tpu.memory_space<vmem>>, vector<1x16xi32>,
      %add3A_959 = arith.addi %mul3A_948, %get3A_941 : vector<16xi32>
      %swap3A_960 = arith.constant 2 : i32
      %swap3A_961 = arith.index_cast %swap3A_960 : i32 to index
      %swap3A_962 = arith.constant 112 : index
      %swap3A_963 = tpu.vector_load %arg9[%swap3A_961, %swap3A_962] {strides = array<i32>} : memref<4x128xi32, #tpu.memory_space<vmem>>, vector<1x16xi32>,
      %swap3A_964 = vector.shape_cast %swap3A_963 : vector<1x16xi32> to vector<16xi32>
      %swap3A_965 = vector.shape_cast %add3A_959 : vector<16xi32> to vector<1x16xi32>
      tpu.vector_store %arg9[%swap3A_961, %swap3A_962], %swap3A_965 {strides = array<i32>} : memref<4x128xi32, #tpu.memory_space<vmem>>, vector<1x16xi32>,
      %dma_start3A_966 = arith.constant 2 : i32
      %dma_start3A_967 = arith.constant 2 : i32
      %dma_start3A_968 = arith.constant 0 : i32
      %dma_start3A_969 = arith.constant 0 : i32
      %dma_start3A_970 = tpu.memref_slice %arg6[%dma_start3A_966, %dma_start3A_968, %dma_start3A_969] : memref<4x128x128xf32, #tpu.memory_space<vmem>> -> memref<1x128x128xf32, #tpu.memory_space<vmem>>
      %dma_start3A_971 = tpu.memref_squeeze %dma_start3A_970 : memref<1x128x128xf32, #tpu.memory_space<vmem>> -> memref<128x128xf32, #tpu.memory_space<vmem>>
      %dma_start3A_972 = arith.constant 0 : i32
      %dma_start3A_973 = tpu.memref_slice %arg8[%dma_start3A_967, %dma_start3A_972] : memref<4x128xi32, #tpu.memory_space<vmem>> -> memref<1x128xi32, #tpu.memory_space<vmem>>
      %dma_start3A_974 = tpu.memref_squeeze %dma_start3A_973 : memref<1x128xi32, #tpu.memory_space<vmem>> -> memref<128xi32, #tpu.memory_space<vmem>>
      %dma_start3A_975 = arith.constant 0 : i32
      %dma_start3A_976 = arith.constant 0 : i32
      %dma_start3A_977 = tpu.memref_slice %arg4[%dma_start3A_975, %dma_start3A_976] : memref<1638400x128xf32, #tpu.memory_space<hbm>> -> memref<1638400x128xf32, #tpu.memory_space<hbm>>
      tpu.enqueue_indirect_dma source(%dma_start3A_971 : memref<128x128xf32, #tpu.memory_space<vmem>>) target(%dma_start3A_977 : memref<1638400x128xf32, #tpu.memory_space<hbm>>) offsets(%dma_start3A_974 : memref<128xi32, #tpu.memory_space<vmem>>) semaphore(%arg16 : memref<!tpu.dma_semaphore, #tpu.memory_space<semaphore_mem>>)
      %dma_start3A_978 = arith.constant 2 : i32
      %dma_start3A_979 = arith.constant 0 : i32
      %dma_start3A_980 = tpu.memref_slice %arg9[%dma_start3A_978, %dma_start3A_979] : memref<4x128xi32, #tpu.memory_space<vmem>> -> memref<1x128xi32, #tpu.memory_space<vmem>>
      %dma_start3A_981 = tpu.memref_squeeze %dma_start3A_980 : memref<1x128xi32, #tpu.memory_space<vmem>> -> memref<128xi32, #tpu.memory_space<vmem>>
      %dma_start3A_982 = arith.constant 0 : i32
      %dma_start3A_983 = arith.constant 0 : i32
      %dma_start3A_984 = tpu.memref_slice %arg4[%dma_start3A_982, %dma_start3A_983] : memref<1638400x128xf32, #tpu.memory_space<hbm>> -> memref<1638400x128xf32, #tpu.memory_space<hbm>>
      tpu.enqueue_indirect_dma source(%arg7 : memref<128x128xf32, #tpu.memory_space<vmem>>) target(%dma_start3A_984 : memref<1638400x128xf32, #tpu.memory_space<hbm>>) offsets(%dma_start3A_981 : memref<128xi32, #tpu.memory_space<vmem>>) semaphore(%arg20 : memref<!tpu.dma_semaphore, #tpu.memory_space<semaphore_mem>>)
      %mul3A_985 = arith.constant 4 : i32
      %mul3A_986 = arith.muli %scan3A_85, %mul3A_985 : i32
      %add3A_987 = arith.constant 3 : i32
      %add3A_988 = arith.addi %mul3A_986, %add3A_987 : i32
      %ge3A_989 = arith.constant 2 : i32
      %ge3A_990 = arith.cmpi sge, %add3A_988, %ge3A_989 : i32
      %convert_element_type3A_991 = arith.extui %ge3A_990 : i1 to i32
      %cond3A_992 = arith.constant 0 : i32
      %cond3A_993 = arith.cmpi ne, %convert_element_type3A_991, %cond3A_992 : i32
      scf.if %cond3A_993 {
        %dma_wait3A_1287 = arith.constant 1 : i32
        %dma_wait3A_1288 = arith.constant 1 : i32
        %dma_wait3A_1289 = arith.constant 0 : i32
        %dma_wait3A_1290 = arith.constant 0 : i32
        %dma_wait3A_1291 = tpu.memref_slice %arg6[%dma_wait3A_1287, %dma_wait3A_1289, %dma_wait3A_1290] : memref<4x128x128xf32, #tpu.memory_space<vmem>> -> memref<1x128x128xf32, #tpu.memory_space<vmem>>
        %dma_wait3A_1292 = tpu.memref_squeeze %dma_wait3A_1291 : memref<1x128x128xf32, #tpu.memory_space<vmem>> -> memref<128x128xf32, #tpu.memory_space<vmem>>
        %dma_wait3A_1293 = arith.constant 0 : i32
        %dma_wait3A_1294 = tpu.memref_slice %arg8[%dma_wait3A_1288, %dma_wait3A_1293] : memref<4x128xi32, #tpu.memory_space<vmem>> -> memref<1x128xi32, #tpu.memory_space<vmem>>
        %dma_wait3A_1295 = tpu.memref_squeeze %dma_wait3A_1294 : memref<1x128xi32, #tpu.memory_space<vmem>> -> memref<128xi32, #tpu.memory_space<vmem>>
        %dma_wait3A_1296 = arith.constant 0 : i32
        %dma_wait3A_1297 = arith.constant 0 : i32
        %dma_wait3A_1298 = tpu.memref_slice %arg4[%dma_wait3A_1296, %dma_wait3A_1297] : memref<1638400x128xf32, #tpu.memory_space<hbm>> -> memref<1638400x128xf32, #tpu.memory_space<hbm>>
        tpu.wait_indirect_dma semaphore(%arg15 : memref<!tpu.dma_semaphore, #tpu.memory_space<semaphore_mem>>) src(%dma_wait3A_1292 : memref<128x128xf32, #tpu.memory_space<vmem>>) dst(%dma_wait3A_1298 : memref<1638400x128xf32, #tpu.memory_space<hbm>>)
        %dma_wait3A_1299 = arith.constant 1 : i32
        %dma_wait3A_1300 = arith.constant 0 : i32
        %dma_wait3A_1301 = tpu.memref_slice %arg9[%dma_wait3A_1299, %dma_wait3A_1300] : memref<4x128xi32, #tpu.memory_space<vmem>> -> memref<1x128xi32, #tpu.memory_space<vmem>>
        %dma_wait3A_1302 = tpu.memref_squeeze %dma_wait3A_1301 : memref<1x128xi32, #tpu.memory_space<vmem>> -> memref<128xi32, #tpu.memory_space<vmem>>
        %dma_wait3A_1303 = arith.constant 0 : i32
        %dma_wait3A_1304 = arith.constant 0 : i32
        %dma_wait3A_1305 = tpu.memref_slice %arg4[%dma_wait3A_1303, %dma_wait3A_1304] : memref<1638400x128xf32, #tpu.memory_space<hbm>> -> memref<1638400x128xf32, #tpu.memory_space<hbm>>
        tpu.wait_indirect_dma semaphore(%arg19 : memref<!tpu.dma_semaphore, #tpu.memory_space<semaphore_mem>>) src(%arg7 : memref<128x128xf32, #tpu.memory_space<vmem>>) dst(%dma_wait3A_1305 : memref<1638400x128xf32, #tpu.memory_space<hbm>>)
      } else {
      }
      %add3A_994 = arith.constant 2 : i32
      %add3A_995 = arith.addi %add3A_988, %add3A_994 : i32
      %lt3A_996 = arith.constant 200 : i32
      %lt3A_997 = arith.cmpi slt, %add3A_995, %lt3A_996 : i32
      %convert_element_type3A_998 = arith.extui %lt3A_997 : i1 to i32
      %cond3A_999 = arith.constant 0 : i32
      %cond3A_1000 = arith.cmpi ne, %convert_element_type3A_998, %cond3A_999 : i32
      scf.if %cond3A_1000 {
        %add3A_1287 = arith.constant 2 : i32
        %add3A_1288 = arith.addi %add3A_988, %add3A_1287 : i32
        %mul3A_1289 = arith.constant 128 : i32
        %mul3A_1290 = arith.muli %add3A_1288, %mul3A_1289 : i32
        %add3A_1291 = arith.addi %mul3A_2, %mul3A_1290 : i32
        %dma_start3A_1292 = arith.constant 1 : i32
        %dma_start3A_1293 = arith.constant 0 : i32
        %dma_start3A_1294 = arith.constant 0 : i32
        %dma_start3A_1295 = tpu.memref_slice %arg6[%dma_start3A_1292, %dma_start3A_1293, %dma_start3A_1294] : memref<4x128x128xf32, #tpu.memory_space<vmem>> -> memref<1x128x128xf32, #tpu.memory_space<vmem>>
        %dma_start3A_1296 = tpu.memref_squeeze %dma_start3A_1295 : memref<1x128x128xf32, #tpu.memory_space<vmem>> -> memref<128x128xf32, #tpu.memory_space<vmem>>
        %dma_start3A_1297 = arith.constant 0 : i32
        %dma_start3A_1298 = tpu.memref_slice %arg2[%add3A_1291, %dma_start3A_1297] : memref<819200x128xf32, #tpu.memory_space<hbm>> -> memref<128x128xf32, #tpu.memory_space<hbm>>
        %dma_start3A_1299 = arith.constant 0 : i32
        %dma_start3A_1300 = arith.constant 0 : i32
        %dma_start3A_1301 = tpu.memref_slice %arg6[%dma_start3A_1292, %dma_start3A_1299, %dma_start3A_1300] : memref<4x128x128xf32, #tpu.memory_space<vmem>> -> memref<1x128x128xf32, #tpu.memory_space<vmem>>
        %dma_start3A_1302 = tpu.memref_squeeze %dma_start3A_1301 : memref<1x128x128xf32, #tpu.memory_space<vmem>> -> memref<128x128xf32, #tpu.memory_space<vmem>>
        %dma_start3A_1303 = arith.constant 0 : i32
        %dma_start3A_1304 = tpu.memref_slice %arg2[%add3A_1291, %dma_start3A_1303] : memref<819200x128xf32, #tpu.memory_space<hbm>> -> memref<128x128xf32, #tpu.memory_space<hbm>>
        tpu.enqueue_dma source(%dma_start3A_1304 : memref<128x128xf32, #tpu.memory_space<hbm>>) target(%dma_start3A_1302 : memref<128x128xf32, #tpu.memory_space<vmem>>) target_semaphore(%arg11 : memref<!tpu.dma_semaphore, #tpu.memory_space<semaphore_mem>>)
      } else {
      }
      %mul3A_1001 = arith.constant 128 : i32
      %mul3A_1002 = arith.muli %add3A_988, %mul3A_1001 : i32
      %add3A_1003 = arith.addi %mul3A_2, %mul3A_1002 : i32
      %dma_wait3A_1004 = arith.constant 3 : i32
      %dma_wait3A_1005 = arith.constant 0 : i32
      %dma_wait3A_1006 = arith.constant 0 : i32
      %dma_wait3A_1007 = tpu.memref_slice %arg6[%dma_wait3A_1004, %dma_wait3A_1005, %dma_wait3A_1006] : memref<4x128x128xf32, #tpu.memory_space<vmem>> -> memref<1x128x128xf32, #tpu.memory_space<vmem>>
      %dma_wait3A_1008 = tpu.memref_squeeze %dma_wait3A_1007 : memref<1x128x128xf32, #tpu.memory_space<vmem>> -> memref<128x128xf32, #tpu.memory_space<vmem>>
      %dma_wait3A_1009 = arith.constant 0 : i32
      %dma_wait3A_1010 = tpu.memref_slice %arg2[%add3A_1003, %dma_wait3A_1009] : memref<819200x128xf32, #tpu.memory_space<hbm>> -> memref<128x128xf32, #tpu.memory_space<hbm>>
      %dma_wait3A_1011 = arith.constant 0 : i32
      %dma_wait3A_1012 = arith.constant 0 : i32
      %dma_wait3A_1013 = tpu.memref_slice %arg6[%dma_wait3A_1004, %dma_wait3A_1011, %dma_wait3A_1012] : memref<4x128x128xf32, #tpu.memory_space<vmem>> -> memref<1x128x128xf32, #tpu.memory_space<vmem>>
      %dma_wait3A_1014 = tpu.memref_squeeze %dma_wait3A_1013 : memref<1x128x128xf32, #tpu.memory_space<vmem>> -> memref<128x128xf32, #tpu.memory_space<vmem>>
      %dma_wait3A_1015 = arith.constant 0 : i32
      %dma_wait3A_1016 = tpu.memref_slice %arg2[%add3A_1003, %dma_wait3A_1015] : memref<819200x128xf32, #tpu.memory_space<hbm>> -> memref<128x128xf32, #tpu.memory_space<hbm>>
      tpu.wait_dma2 semaphore(%arg13 : memref<!tpu.dma_semaphore, #tpu.memory_space<semaphore_mem>>) src(%dma_wait3A_1016 : memref<128x128xf32, #tpu.memory_space<hbm>>) dst(%dma_wait3A_1014 : memref<128x128xf32, #tpu.memory_space<vmem>>)
      %mul3A_1017 = arith.constant 128 : i32
      %mul3A_1018 = arith.muli %add3A_988, %mul3A_1017 : i32
      %add3A_1019 = arith.addi %mul3A_2, %mul3A_1018 : i32
      %mul3A_1020 = arith.constant 128 : i32
      %mul3A_1021 = arith.muli %add3A_988, %mul3A_1020 : i32
      %add3A_1022 = arith.constant 0 : i32
      %add3A_1023 = arith.addi %mul3A_1021, %add3A_1022 : i32
      %get3A_1024 = arith.index_cast %add3A_1023 : i32 to index
      %get3A_1025 = tpu.vector_load %arg5[%get3A_1024] {strides = array<i32>} : memref<25600xi32, #tpu.memory_space<vmem>>, vector<16xi32>,
      %get3A_1026 = vector.shape_cast %get3A_1025 : vector<16xi32> to vector<16xi32>
      %add3A_1027 = arith.constant 0 : i32
      %add3A_1028 = arith.addi %add3A_1019, %add3A_1027 : i32
      %add3A_1029 = vector.broadcast %add3A_1028 : i32 to vector<16xi32>
      %add3A_1030 = arith.addi %add3A_1029, %iota3A : vector<16xi32>
      %mul3A_1031 = arith.constant 2 : i32
      %mul3A_1032 = vector.broadcast %mul3A_1031 : i32 to vector<16xi32>
      %mul3A_1033 = arith.muli %mul3A_1032, %add3A_1030 : vector<16xi32>
      %add3A_1034 = arith.constant 1 : i32
      %add3A_1035 = vector.broadcast %add3A_1034 : i32 to vector<16xi32>
      %add3A_1036 = arith.addi %mul3A_1033, %add3A_1035 : vector<16xi32>
      %sub3A_1037 = arith.subi %add3A_1036, %get3A_1026 : vector<16xi32>
      %swap3A_1038 = arith.constant 3 : i32
      %swap3A_1039 = arith.index_cast %swap3A_1038 : i32 to index
      %swap3A_1040 = arith.constant 0 : index
      %swap3A_1041 = tpu.vector_load %arg8[%swap3A_1039, %swap3A_1040] {strides = array<i32>} : memref<4x128xi32, #tpu.memory_space<vmem>>, vector<1x16xi32>,
      %swap3A_1042 = vector.shape_cast %swap3A_1041 : vector<1x16xi32> to vector<16xi32>
      %swap3A_1043 = vector.shape_cast %sub3A_1037 : vector<16xi32> to vector<1x16xi32>
      tpu.vector_store %arg8[%swap3A_1039, %swap3A_1040], %swap3A_1043 {strides = array<i32>} : memref<4x128xi32, #tpu.memory_space<vmem>>, vector<1x16xi32>,
      %add3A_1044 = arith.addi %mul3A_1033, %get3A_1026 : vector<16xi32>
      %swap3A_1045 = arith.constant 3 : i32
      %swap3A_1046 = arith.index_cast %swap3A_1045 : i32 to index
      %swap3A_1047 = arith.constant 0 : index
      %swap3A_1048 = tpu.vector_load %arg9[%swap3A_1046, %swap3A_1047] {strides = array<i32>} : memref<4x128xi32, #tpu.memory_space<vmem>>, vector<1x16xi32>,
      %swap3A_1049 = vector.shape_cast %swap3A_1048 : vector<1x16xi32> to vector<16xi32>
      %swap3A_1050 = vector.shape_cast %add3A_1044 : vector<16xi32> to vector<1x16xi32>
      tpu.vector_store %arg9[%swap3A_1046, %swap3A_1047], %swap3A_1050 {strides = array<i32>} : memref<4x128xi32, #tpu.memory_space<vmem>>, vector<1x16xi32>,
      %mul3A_1051 = arith.constant 128 : i32
      %mul3A_1052 = arith.muli %add3A_988, %mul3A_1051 : i32
      %add3A_1053 = arith.constant 16 : i32
      %add3A_1054 = arith.addi %mul3A_1052, %add3A_1053 : i32
      %get3A_1055 = arith.index_cast %add3A_1054 : i32 to index
      %get3A_1056 = tpu.vector_load %arg5[%get3A_1055] {strides = array<i32>} : memref<25600xi32, #tpu.memory_space<vmem>>, vector<16xi32>,
      %get3A_1057 = vector.shape_cast %get3A_1056 : vector<16xi32> to vector<16xi32>
      %add3A_1058 = arith.constant 16 : i32
      %add3A_1059 = arith.addi %add3A_1019, %add3A_1058 : i32
      %add3A_1060 = vector.broadcast %add3A_1059 : i32 to vector<16xi32>
      %add3A_1061 = arith.addi %add3A_1060, %iota3A : vector<16xi32>
      %mul3A_1062 = arith.constant 2 : i32
      %mul3A_1063 = vector.broadcast %mul3A_1062 : i32 to vector<16xi32>
      %mul3A_1064 = arith.muli %mul3A_1063, %add3A_1061 : vector<16xi32>
      %add3A_1065 = arith.constant 1 : i32
      %add3A_1066 = vector.broadcast %add3A_1065 : i32 to vector<16xi32>
      %add3A_1067 = arith.addi %mul3A_1064, %add3A_1066 : vector<16xi32>
      %sub3A_1068 = arith.subi %add3A_1067, %get3A_1057 : vector<16xi32>
      %swap3A_1069 = arith.constant 3 : i32
      %swap3A_1070 = arith.index_cast %swap3A_1069 : i32 to index
      %swap3A_1071 = arith.constant 16 : index
      %swap3A_1072 = tpu.vector_load %arg8[%swap3A_1070, %swap3A_1071] {strides = array<i32>} : memref<4x128xi32, #tpu.memory_space<vmem>>, vector<1x16xi32>,
      %swap3A_1073 = vector.shape_cast %swap3A_1072 : vector<1x16xi32> to vector<16xi32>
      %swap3A_1074 = vector.shape_cast %sub3A_1068 : vector<16xi32> to vector<1x16xi32>
      tpu.vector_store %arg8[%swap3A_1070, %swap3A_1071], %swap3A_1074 {strides = array<i32>} : memref<4x128xi32, #tpu.memory_space<vmem>>, vector<1x16xi32>,
      %add3A_1075 = arith.addi %mul3A_1064, %get3A_1057 : vector<16xi32>
      %swap3A_1076 = arith.constant 3 : i32
      %swap3A_1077 = arith.index_cast %swap3A_1076 : i32 to index
      %swap3A_1078 = arith.constant 16 : index
      %swap3A_1079 = tpu.vector_load %arg9[%swap3A_1077, %swap3A_1078] {strides = array<i32>} : memref<4x128xi32, #tpu.memory_space<vmem>>, vector<1x16xi32>,
      %swap3A_1080 = vector.shape_cast %swap3A_1079 : vector<1x16xi32> to vector<16xi32>
      %swap3A_1081 = vector.shape_cast %add3A_1075 : vector<16xi32> to vector<1x16xi32>
      tpu.vector_store %arg9[%swap3A_1077, %swap3A_1078], %swap3A_1081 {strides = array<i32>} : memref<4x128xi32, #tpu.memory_space<vmem>>, vector<1x16xi32>,
      %mul3A_1082 = arith.constant 128 : i32
      %mul3A_1083 = arith.muli %add3A_988, %mul3A_1082 : i32
      %add3A_1084 = arith.constant 32 : i32
      %add3A_1085 = arith.addi %mul3A_1083, %add3A_1084 : i32
      %get3A_1086 = arith.index_cast %add3A_1085 : i32 to index
      %get3A_1087 = tpu.vector_load %arg5[%get3A_1086] {strides = array<i32>} : memref<25600xi32, #tpu.memory_space<vmem>>, vector<16xi32>,
      %get3A_1088 = vector.shape_cast %get3A_1087 : vector<16xi32> to vector<16xi32>
      %add3A_1089 = arith.constant 32 : i32
      %add3A_1090 = arith.addi %add3A_1019, %add3A_1089 : i32
      %add3A_1091 = vector.broadcast %add3A_1090 : i32 to vector<16xi32>
      %add3A_1092 = arith.addi %add3A_1091, %iota3A : vector<16xi32>
      %mul3A_1093 = arith.constant 2 : i32
      %mul3A_1094 = vector.broadcast %mul3A_1093 : i32 to vector<16xi32>
      %mul3A_1095 = arith.muli %mul3A_1094, %add3A_1092 : vector<16xi32>
      %add3A_1096 = arith.constant 1 : i32
      %add3A_1097 = vector.broadcast %add3A_1096 : i32 to vector<16xi32>
      %add3A_1098 = arith.addi %mul3A_1095, %add3A_1097 : vector<16xi32>
      %sub3A_1099 = arith.subi %add3A_1098, %get3A_1088 : vector<16xi32>
      %swap3A_1100 = arith.constant 3 : i32
      %swap3A_1101 = arith.index_cast %swap3A_1100 : i32 to index
      %swap3A_1102 = arith.constant 32 : index
      %swap3A_1103 = tpu.vector_load %arg8[%swap3A_1101, %swap3A_1102] {strides = array<i32>} : memref<4x128xi32, #tpu.memory_space<vmem>>, vector<1x16xi32>,
      %swap3A_1104 = vector.shape_cast %swap3A_1103 : vector<1x16xi32> to vector<16xi32>
      %swap3A_1105 = vector.shape_cast %sub3A_1099 : vector<16xi32> to vector<1x16xi32>
      tpu.vector_store %arg8[%swap3A_1101, %swap3A_1102], %swap3A_1105 {strides = array<i32>} : memref<4x128xi32, #tpu.memory_space<vmem>>, vector<1x16xi32>,
      %add3A_1106 = arith.addi %mul3A_1095, %get3A_1088 : vector<16xi32>
      %swap3A_1107 = arith.constant 3 : i32
      %swap3A_1108 = arith.index_cast %swap3A_1107 : i32 to index
      %swap3A_1109 = arith.constant 32 : index
      %swap3A_1110 = tpu.vector_load %arg9[%swap3A_1108, %swap3A_1109] {strides = array<i32>} : memref<4x128xi32, #tpu.memory_space<vmem>>, vector<1x16xi32>,
      %swap3A_1111 = vector.shape_cast %swap3A_1110 : vector<1x16xi32> to vector<16xi32>
      %swap3A_1112 = vector.shape_cast %add3A_1106 : vector<16xi32> to vector<1x16xi32>
      tpu.vector_store %arg9[%swap3A_1108, %swap3A_1109], %swap3A_1112 {strides = array<i32>} : memref<4x128xi32, #tpu.memory_space<vmem>>, vector<1x16xi32>,
      %mul3A_1113 = arith.constant 128 : i32
      %mul3A_1114 = arith.muli %add3A_988, %mul3A_1113 : i32
      %add3A_1115 = arith.constant 48 : i32
      %add3A_1116 = arith.addi %mul3A_1114, %add3A_1115 : i32
      %get3A_1117 = arith.index_cast %add3A_1116 : i32 to index
      %get3A_1118 = tpu.vector_load %arg5[%get3A_1117] {strides = array<i32>} : memref<25600xi32, #tpu.memory_space<vmem>>, vector<16xi32>,
      %get3A_1119 = vector.shape_cast %get3A_1118 : vector<16xi32> to vector<16xi32>
      %add3A_1120 = arith.constant 48 : i32
      %add3A_1121 = arith.addi %add3A_1019, %add3A_1120 : i32
      %add3A_1122 = vector.broadcast %add3A_1121 : i32 to vector<16xi32>
      %add3A_1123 = arith.addi %add3A_1122, %iota3A : vector<16xi32>
      %mul3A_1124 = arith.constant 2 : i32
      %mul3A_1125 = vector.broadcast %mul3A_1124 : i32 to vector<16xi32>
      %mul3A_1126 = arith.muli %mul3A_1125, %add3A_1123 : vector<16xi32>
      %add3A_1127 = arith.constant 1 : i32
      %add3A_1128 = vector.broadcast %add3A_1127 : i32 to vector<16xi32>
      %add3A_1129 = arith.addi %mul3A_1126, %add3A_1128 : vector<16xi32>
      %sub3A_1130 = arith.subi %add3A_1129, %get3A_1119 : vector<16xi32>
      %swap3A_1131 = arith.constant 3 : i32
      %swap3A_1132 = arith.index_cast %swap3A_1131 : i32 to index
      %swap3A_1133 = arith.constant 48 : index
      %swap3A_1134 = tpu.vector_load %arg8[%swap3A_1132, %swap3A_1133] {strides = array<i32>} : memref<4x128xi32, #tpu.memory_space<vmem>>, vector<1x16xi32>,
      %swap3A_1135 = vector.shape_cast %swap3A_1134 : vector<1x16xi32> to vector<16xi32>
      %swap3A_1136 = vector.shape_cast %sub3A_1130 : vector<16xi32> to vector<1x16xi32>
      tpu.vector_store %arg8[%swap3A_1132, %swap3A_1133], %swap3A_1136 {strides = array<i32>} : memref<4x128xi32, #tpu.memory_space<vmem>>, vector<1x16xi32>,
      %add3A_1137 = arith.addi %mul3A_1126, %get3A_1119 : vector<16xi32>
      %swap3A_1138 = arith.constant 3 : i32
      %swap3A_1139 = arith.index_cast %swap3A_1138 : i32 to index
      %swap3A_1140 = arith.constant 48 : index
      %swap3A_1141 = tpu.vector_load %arg9[%swap3A_1139, %swap3A_1140] {strides = array<i32>} : memref<4x128xi32, #tpu.memory_space<vmem>>, vector<1x16xi32>,
      %swap3A_1142 = vector.shape_cast %swap3A_1141 : vector<1x16xi32> to vector<16xi32>
      %swap3A_1143 = vector.shape_cast %add3A_1137 : vector<16xi32> to vector<1x16xi32>
      tpu.vector_store %arg9[%swap3A_1139, %swap3A_1140], %swap3A_1143 {strides = array<i32>} : memref<4x128xi32, #tpu.memory_space<vmem>>, vector<1x16xi32>,
      %mul3A_1144 = arith.constant 128 : i32
      %mul3A_1145 = arith.muli %add3A_988, %mul3A_1144 : i32
      %add3A_1146 = arith.constant 64 : i32
      %add3A_1147 = arith.addi %mul3A_1145, %add3A_1146 : i32
      %get3A_1148 = arith.index_cast %add3A_1147 : i32 to index
      %get3A_1149 = tpu.vector_load %arg5[%get3A_1148] {strides = array<i32>} : memref<25600xi32, #tpu.memory_space<vmem>>, vector<16xi32>,
      %get3A_1150 = vector.shape_cast %get3A_1149 : vector<16xi32> to vector<16xi32>
      %add3A_1151 = arith.constant 64 : i32
      %add3A_1152 = arith.addi %add3A_1019, %add3A_1151 : i32
      %add3A_1153 = vector.broadcast %add3A_1152 : i32 to vector<16xi32>
      %add3A_1154 = arith.addi %add3A_1153, %iota3A : vector<16xi32>
      %mul3A_1155 = arith.constant 2 : i32
      %mul3A_1156 = vector.broadcast %mul3A_1155 : i32 to vector<16xi32>
      %mul3A_1157 = arith.muli %mul3A_1156, %add3A_1154 : vector<16xi32>
      %add3A_1158 = arith.constant 1 : i32
      %add3A_1159 = vector.broadcast %add3A_1158 : i32 to vector<16xi32>
      %add3A_1160 = arith.addi %mul3A_1157, %add3A_1159 : vector<16xi32>
      %sub3A_1161 = arith.subi %add3A_1160, %get3A_1150 : vector<16xi32>
      %swap3A_1162 = arith.constant 3 : i32
      %swap3A_1163 = arith.index_cast %swap3A_1162 : i32 to index
      %swap3A_1164 = arith.constant 64 : index
      %swap3A_1165 = tpu.vector_load %arg8[%swap3A_1163, %swap3A_1164] {strides = array<i32>} : memref<4x128xi32, #tpu.memory_space<vmem>>, vector<1x16xi32>,
      %swap3A_1166 = vector.shape_cast %swap3A_1165 : vector<1x16xi32> to vector<16xi32>
      %swap3A_1167 = vector.shape_cast %sub3A_1161 : vector<16xi32> to vector<1x16xi32>
      tpu.vector_store %arg8[%swap3A_1163, %swap3A_1164], %swap3A_1167 {strides = array<i32>} : memref<4x128xi32, #tpu.memory_space<vmem>>, vector<1x16xi32>,
      %add3A_1168 = arith.addi %mul3A_1157, %get3A_1150 : vector<16xi32>
      %swap3A_1169 = arith.constant 3 : i32
      %swap3A_1170 = arith.index_cast %swap3A_1169 : i32 to index
      %swap3A_1171 = arith.constant 64 : index
      %swap3A_1172 = tpu.vector_load %arg9[%swap3A_1170, %swap3A_1171] {strides = array<i32>} : memref<4x128xi32, #tpu.memory_space<vmem>>, vector<1x16xi32>,
      %swap3A_1173 = vector.shape_cast %swap3A_1172 : vector<1x16xi32> to vector<16xi32>
      %swap3A_1174 = vector.shape_cast %add3A_1168 : vector<16xi32> to vector<1x16xi32>
      tpu.vector_store %arg9[%swap3A_1170, %swap3A_1171], %swap3A_1174 {strides = array<i32>} : memref<4x128xi32, #tpu.memory_space<vmem>>, vector<1x16xi32>,
      %mul3A_1175 = arith.constant 128 : i32
      %mul3A_1176 = arith.muli %add3A_988, %mul3A_1175 : i32
      %add3A_1177 = arith.constant 80 : i32
      %add3A_1178 = arith.addi %mul3A_1176, %add3A_1177 : i32
      %get3A_1179 = arith.index_cast %add3A_1178 : i32 to index
      %get3A_1180 = tpu.vector_load %arg5[%get3A_1179] {strides = array<i32>} : memref<25600xi32, #tpu.memory_space<vmem>>, vector<16xi32>,
      %get3A_1181 = vector.shape_cast %get3A_1180 : vector<16xi32> to vector<16xi32>
      %add3A_1182 = arith.constant 80 : i32
      %add3A_1183 = arith.addi %add3A_1019, %add3A_1182 : i32
      %add3A_1184 = vector.broadcast %add3A_1183 : i32 to vector<16xi32>
      %add3A_1185 = arith.addi %add3A_1184, %iota3A : vector<16xi32>
      %mul3A_1186 = arith.constant 2 : i32
      %mul3A_1187 = vector.broadcast %mul3A_1186 : i32 to vector<16xi32>
      %mul3A_1188 = arith.muli %mul3A_1187, %add3A_1185 : vector<16xi32>
      %add3A_1189 = arith.constant 1 : i32
      %add3A_1190 = vector.broadcast %add3A_1189 : i32 to vector<16xi32>
      %add3A_1191 = arith.addi %mul3A_1188, %add3A_1190 : vector<16xi32>
      %sub3A_1192 = arith.subi %add3A_1191, %get3A_1181 : vector<16xi32>
      %swap3A_1193 = arith.constant 3 : i32
      %swap3A_1194 = arith.index_cast %swap3A_1193 : i32 to index
      %swap3A_1195 = arith.constant 80 : index
      %swap3A_1196 = tpu.vector_load %arg8[%swap3A_1194, %swap3A_1195] {strides = array<i32>} : memref<4x128xi32, #tpu.memory_space<vmem>>, vector<1x16xi32>,
      %swap3A_1197 = vector.shape_cast %swap3A_1196 : vector<1x16xi32> to vector<16xi32>
      %swap3A_1198 = vector.shape_cast %sub3A_1192 : vector<16xi32> to vector<1x16xi32>
      tpu.vector_store %arg8[%swap3A_1194, %swap3A_1195], %swap3A_1198 {strides = array<i32>} : memref<4x128xi32, #tpu.memory_space<vmem>>, vector<1x16xi32>,
      %add3A_1199 = arith.addi %mul3A_1188, %get3A_1181 : vector<16xi32>
      %swap3A_1200 = arith.constant 3 : i32
      %swap3A_1201 = arith.index_cast %swap3A_1200 : i32 to index
      %swap3A_1202 = arith.constant 80 : index
      %swap3A_1203 = tpu.vector_load %arg9[%swap3A_1201, %swap3A_1202] {strides = array<i32>} : memref<4x128xi32, #tpu.memory_space<vmem>>, vector<1x16xi32>,
      %swap3A_1204 = vector.shape_cast %swap3A_1203 : vector<1x16xi32> to vector<16xi32>
      %swap3A_1205 = vector.shape_cast %add3A_1199 : vector<16xi32> to vector<1x16xi32>
      tpu.vector_store %arg9[%swap3A_1201, %swap3A_1202], %swap3A_1205 {strides = array<i32>} : memref<4x128xi32, #tpu.memory_space<vmem>>, vector<1x16xi32>,
      %mul3A_1206 = arith.constant 128 : i32
      %mul3A_1207 = arith.muli %add3A_988, %mul3A_1206 : i32
      %add3A_1208 = arith.constant 96 : i32
      %add3A_1209 = arith.addi %mul3A_1207, %add3A_1208 : i32
      %get3A_1210 = arith.index_cast %add3A_1209 : i32 to index
      %get3A_1211 = tpu.vector_load %arg5[%get3A_1210] {strides = array<i32>} : memref<25600xi32, #tpu.memory_space<vmem>>, vector<16xi32>,
      %get3A_1212 = vector.shape_cast %get3A_1211 : vector<16xi32> to vector<16xi32>
      %add3A_1213 = arith.constant 96 : i32
      %add3A_1214 = arith.addi %add3A_1019, %add3A_1213 : i32
      %add3A_1215 = vector.broadcast %add3A_1214 : i32 to vector<16xi32>
      %add3A_1216 = arith.addi %add3A_1215, %iota3A : vector<16xi32>
      %mul3A_1217 = arith.constant 2 : i32
      %mul3A_1218 = vector.broadcast %mul3A_1217 : i32 to vector<16xi32>
      %mul3A_1219 = arith.muli %mul3A_1218, %add3A_1216 : vector<16xi32>
      %add3A_1220 = arith.constant 1 : i32
      %add3A_1221 = vector.broadcast %add3A_1220 : i32 to vector<16xi32>
      %add3A_1222 = arith.addi %mul3A_1219, %add3A_1221 : vector<16xi32>
      %sub3A_1223 = arith.subi %add3A_1222, %get3A_1212 : vector<16xi32>
      %swap3A_1224 = arith.constant 3 : i32
      %swap3A_1225 = arith.index_cast %swap3A_1224 : i32 to index
      %swap3A_1226 = arith.constant 96 : index
      %swap3A_1227 = tpu.vector_load %arg8[%swap3A_1225, %swap3A_1226] {strides = array<i32>} : memref<4x128xi32, #tpu.memory_space<vmem>>, vector<1x16xi32>,
      %swap3A_1228 = vector.shape_cast %swap3A_1227 : vector<1x16xi32> to vector<16xi32>
      %swap3A_1229 = vector.shape_cast %sub3A_1223 : vector<16xi32> to vector<1x16xi32>
      tpu.vector_store %arg8[%swap3A_1225, %swap3A_1226], %swap3A_1229 {strides = array<i32>} : memref<4x128xi32, #tpu.memory_space<vmem>>, vector<1x16xi32>,
      %add3A_1230 = arith.addi %mul3A_1219, %get3A_1212 : vector<16xi32>
      %swap3A_1231 = arith.constant 3 : i32
      %swap3A_1232 = arith.index_cast %swap3A_1231 : i32 to index
      %swap3A_1233 = arith.constant 96 : index
      %swap3A_1234 = tpu.vector_load %arg9[%swap3A_1232, %swap3A_1233] {strides = array<i32>} : memref<4x128xi32, #tpu.memory_space<vmem>>, vector<1x16xi32>,
      %swap3A_1235 = vector.shape_cast %swap3A_1234 : vector<1x16xi32> to vector<16xi32>
      %swap3A_1236 = vector.shape_cast %add3A_1230 : vector<16xi32> to vector<1x16xi32>
      tpu.vector_store %arg9[%swap3A_1232, %swap3A_1233], %swap3A_1236 {strides = array<i32>} : memref<4x128xi32, #tpu.memory_space<vmem>>, vector<1x16xi32>,
      %mul3A_1237 = arith.constant 128 : i32
      %mul3A_1238 = arith.muli %add3A_988, %mul3A_1237 : i32
      %add3A_1239 = arith.constant 112 : i32
      %add3A_1240 = arith.addi %mul3A_1238, %add3A_1239 : i32
      %get3A_1241 = arith.index_cast %add3A_1240 : i32 to index
      %get3A_1242 = tpu.vector_load %arg5[%get3A_1241] {strides = array<i32>} : memref<25600xi32, #tpu.memory_space<vmem>>, vector<16xi32>,
      %get3A_1243 = vector.shape_cast %get3A_1242 : vector<16xi32> to vector<16xi32>
      %add3A_1244 = arith.constant 112 : i32
      %add3A_1245 = arith.addi %add3A_1019, %add3A_1244 : i32
      %add3A_1246 = vector.broadcast %add3A_1245 : i32 to vector<16xi32>
      %add3A_1247 = arith.addi %add3A_1246, %iota3A : vector<16xi32>
      %mul3A_1248 = arith.constant 2 : i32
      %mul3A_1249 = vector.broadcast %mul3A_1248 : i32 to vector<16xi32>
      %mul3A_1250 = arith.muli %mul3A_1249, %add3A_1247 : vector<16xi32>
      %add3A_1251 = arith.constant 1 : i32
      %add3A_1252 = vector.broadcast %add3A_1251 : i32 to vector<16xi32>
      %add3A_1253 = arith.addi %mul3A_1250, %add3A_1252 : vector<16xi32>
      %sub3A_1254 = arith.subi %add3A_1253, %get3A_1243 : vector<16xi32>
      %swap3A_1255 = arith.constant 3 : i32
      %swap3A_1256 = arith.index_cast %swap3A_1255 : i32 to index
      %swap3A_1257 = arith.constant 112 : index
      %swap3A_1258 = tpu.vector_load %arg8[%swap3A_1256, %swap3A_1257] {strides = array<i32>} : memref<4x128xi32, #tpu.memory_space<vmem>>, vector<1x16xi32>,
      %swap3A_1259 = vector.shape_cast %swap3A_1258 : vector<1x16xi32> to vector<16xi32>
      %swap3A_1260 = vector.shape_cast %sub3A_1254 : vector<16xi32> to vector<1x16xi32>
      tpu.vector_store %arg8[%swap3A_1256, %swap3A_1257], %swap3A_1260 {strides = array<i32>} : memref<4x128xi32, #tpu.memory_space<vmem>>, vector<1x16xi32>,
      %add3A_1261 = arith.addi %mul3A_1250, %get3A_1243 : vector<16xi32>
      %swap3A_1262 = arith.constant 3 : i32
      %swap3A_1263 = arith.index_cast %swap3A_1262 : i32 to index
      %swap3A_1264 = arith.constant 112 : index
      %swap3A_1265 = tpu.vector_load %arg9[%swap3A_1263, %swap3A_1264] {strides = array<i32>} : memref<4x128xi32, #tpu.memory_space<vmem>>, vector<1x16xi32>,
      %swap3A_1266 = vector.shape_cast %swap3A_1265 : vector<1x16xi32> to vector<16xi32>
      %swap3A_1267 = vector.shape_cast %add3A_1261 : vector<16xi32> to vector<1x16xi32>
      tpu.vector_store %arg9[%swap3A_1263, %swap3A_1264], %swap3A_1267 {strides = array<i32>} : memref<4x128xi32, #tpu.memory_space<vmem>>, vector<1x16xi32>,
      %dma_start3A_1268 = arith.constant 3 : i32
      %dma_start3A_1269 = arith.constant 3 : i32
      %dma_start3A_1270 = arith.constant 0 : i32
      %dma_start3A_1271 = arith.constant 0 : i32
      %dma_start3A_1272 = tpu.memref_slice %arg6[%dma_start3A_1268, %dma_start3A_1270, %dma_start3A_1271] : memref<4x128x128xf32, #tpu.memory_space<vmem>> -> memref<1x128x128xf32, #tpu.memory_space<vmem>>
      %dma_start3A_1273 = tpu.memref_squeeze %dma_start3A_1272 : memref<1x128x128xf32, #tpu.memory_space<vmem>> -> memref<128x128xf32, #tpu.memory_space<vmem>>
      %dma_start3A_1274 = arith.constant 0 : i32
      %dma_start3A_1275 = tpu.memref_slice %arg8[%dma_start3A_1269, %dma_start3A_1274] : memref<4x128xi32, #tpu.memory_space<vmem>> -> memref<1x128xi32, #tpu.memory_space<vmem>>
      %dma_start3A_1276 = tpu.memref_squeeze %dma_start3A_1275 : memref<1x128xi32, #tpu.memory_space<vmem>> -> memref<128xi32, #tpu.memory_space<vmem>>
      %dma_start3A_1277 = arith.constant 0 : i32
      %dma_start3A_1278 = arith.constant 0 : i32
      %dma_start3A_1279 = tpu.memref_slice %arg4[%dma_start3A_1277, %dma_start3A_1278] : memref<1638400x128xf32, #tpu.memory_space<hbm>> -> memref<1638400x128xf32, #tpu.memory_space<hbm>>
      tpu.enqueue_indirect_dma source(%dma_start3A_1273 : memref<128x128xf32, #tpu.memory_space<vmem>>) target(%dma_start3A_1279 : memref<1638400x128xf32, #tpu.memory_space<hbm>>) offsets(%dma_start3A_1276 : memref<128xi32, #tpu.memory_space<vmem>>) semaphore(%arg17 : memref<!tpu.dma_semaphore, #tpu.memory_space<semaphore_mem>>)
      %dma_start3A_1280 = arith.constant 3 : i32
      %dma_start3A_1281 = arith.constant 0 : i32
      %dma_start3A_1282 = tpu.memref_slice %arg9[%dma_start3A_1280, %dma_start3A_1281] : memref<4x128xi32, #tpu.memory_space<vmem>> -> memref<1x128xi32, #tpu.memory_space<vmem>>
      %dma_start3A_1283 = tpu.memref_squeeze %dma_start3A_1282 : memref<1x128xi32, #tpu.memory_space<vmem>> -> memref<128xi32, #tpu.memory_space<vmem>>
      %dma_start3A_1284 = arith.constant 0 : i32
      %dma_start3A_1285 = arith.constant 0 : i32
      %dma_start3A_1286 = tpu.memref_slice %arg4[%dma_start3A_1284, %dma_start3A_1285] : memref<1638400x128xf32, #tpu.memory_space<hbm>> -> memref<1638400x128xf32, #tpu.memory_space<hbm>>
      tpu.enqueue_indirect_dma source(%arg7 : memref<128x128xf32, #tpu.memory_space<vmem>>) target(%dma_start3A_1286 : memref<1638400x128xf32, #tpu.memory_space<hbm>>) offsets(%dma_start3A_1283 : memref<128xi32, #tpu.memory_space<vmem>>) semaphore(%arg21 : memref<!tpu.dma_semaphore, #tpu.memory_space<semaphore_mem>>)
    }
    %scan3A_47 = arith.constant 50 : i32
    %dma_wait3A = arith.constant 2 : i32
    %dma_wait3A_48 = arith.constant 2 : i32
    %dma_wait3A_49 = arith.constant 0 : i32
    %dma_wait3A_50 = arith.constant 0 : i32
    %dma_wait3A_51 = tpu.memref_slice %arg6[%dma_wait3A, %dma_wait3A_49, %dma_wait3A_50] : memref<4x128x128xf32, #tpu.memory_space<vmem>> -> memref<1x128x128xf32, #tpu.memory_space<vmem>>
    %dma_wait3A_52 = tpu.memref_squeeze %dma_wait3A_51 : memref<1x128x128xf32, #tpu.memory_space<vmem>> -> memref<128x128xf32, #tpu.memory_space<vmem>>
    %dma_wait3A_53 = arith.constant 0 : i32
    %dma_wait3A_54 = tpu.memref_slice %arg8[%dma_wait3A_48, %dma_wait3A_53] : memref<4x128xi32, #tpu.memory_space<vmem>> -> memref<1x128xi32, #tpu.memory_space<vmem>>
    %dma_wait3A_55 = tpu.memref_squeeze %dma_wait3A_54 : memref<1x128xi32, #tpu.memory_space<vmem>> -> memref<128xi32, #tpu.memory_space<vmem>>
    %dma_wait3A_56 = arith.constant 0 : i32
    %dma_wait3A_57 = arith.constant 0 : i32
    %dma_wait3A_58 = tpu.memref_slice %arg4[%dma_wait3A_56, %dma_wait3A_57] : memref<1638400x128xf32, #tpu.memory_space<hbm>> -> memref<1638400x128xf32, #tpu.memory_space<hbm>>
    tpu.wait_indirect_dma semaphore(%arg16 : memref<!tpu.dma_semaphore, #tpu.memory_space<semaphore_mem>>) src(%dma_wait3A_52 : memref<128x128xf32, #tpu.memory_space<vmem>>) dst(%dma_wait3A_58 : memref<1638400x128xf32, #tpu.memory_space<hbm>>)
    %dma_wait3A_59 = arith.constant 2 : i32
    %dma_wait3A_60 = arith.constant 0 : i32
    %dma_wait3A_61 = tpu.memref_slice %arg9[%dma_wait3A_59, %dma_wait3A_60] : memref<4x128xi32, #tpu.memory_space<vmem>> -> memref<1x128xi32, #tpu.memory_space<vmem>>
    %dma_wait3A_62 = tpu.memref_squeeze %dma_wait3A_61 : memref<1x128xi32, #tpu.memory_space<vmem>> -> memref<128xi32, #tpu.memory_space<vmem>>
    %dma_wait3A_63 = arith.constant 0 : i32
    %dma_wait3A_64 = arith.constant 0 : i32
    %dma_wait3A_65 = tpu.memref_slice %arg4[%dma_wait3A_63, %dma_wait3A_64] : memref<1638400x128xf32, #tpu.memory_space<hbm>> -> memref<1638400x128xf32, #tpu.memory_space<hbm>>
    tpu.wait_indirect_dma semaphore(%arg20 : memref<!tpu.dma_semaphore, #tpu.memory_space<semaphore_mem>>) src(%arg7 : memref<128x128xf32, #tpu.memory_space<vmem>>) dst(%dma_wait3A_65 : memref<1638400x128xf32, #tpu.memory_space<hbm>>)
    %dma_wait3A_66 = arith.constant 3 : i32
    %dma_wait3A_67 = arith.constant 3 : i32
    %dma_wait3A_68 = arith.constant 0 : i32
    %dma_wait3A_69 = arith.constant 0 : i32
    %dma_wait3A_70 = tpu.memref_slice %arg6[%dma_wait3A_66, %dma_wait3A_68, %dma_wait3A_69] : memref<4x128x128xf32, #tpu.memory_space<vmem>> -> memref<1x128x128xf32, #tpu.memory_space<vmem>>
    %dma_wait3A_71 = tpu.memref_squeeze %dma_wait3A_70 : memref<1x128x128xf32, #tpu.memory_space<vmem>> -> memref<128x128xf32, #tpu.memory_space<vmem>>
    %dma_wait3A_72 = arith.constant 0 : i32
    %dma_wait3A_73 = tpu.memref_slice %arg8[%dma_wait3A_67, %dma_wait3A_72] : memref<4x128xi32, #tpu.memory_space<vmem>> -> memref<1x128xi32, #tpu.memory_space<vmem>>
    %dma_wait3A_74 = tpu.memref_squeeze %dma_wait3A_73 : memref<1x128xi32, #tpu.memory_space<vmem>> -> memref<128xi32, #tpu.memory_space<vmem>>
    %dma_wait3A_75 = arith.constant 0 : i32
    %dma_wait3A_76 = arith.constant 0 : i32
    %dma_wait3A_77 = tpu.memref_slice %arg4[%dma_wait3A_75, %dma_wait3A_76] : memref<1638400x128xf32, #tpu.memory_space<hbm>> -> memref<1638400x128xf32, #tpu.memory_space<hbm>>
    tpu.wait_indirect_dma semaphore(%arg17 : memref<!tpu.dma_semaphore, #tpu.memory_space<semaphore_mem>>) src(%dma_wait3A_71 : memref<128x128xf32, #tpu.memory_space<vmem>>) dst(%dma_wait3A_77 : memref<1638400x128xf32, #tpu.memory_space<hbm>>)
    %dma_wait3A_78 = arith.constant 3 : i32
    %dma_wait3A_79 = arith.constant 0 : i32
    %dma_wait3A_80 = tpu.memref_slice %arg9[%dma_wait3A_78, %dma_wait3A_79] : memref<4x128xi32, #tpu.memory_space<vmem>> -> memref<1x128xi32, #tpu.memory_space<vmem>>
    %dma_wait3A_81 = tpu.memref_squeeze %dma_wait3A_80 : memref<1x128xi32, #tpu.memory_space<vmem>> -> memref<128xi32, #tpu.memory_space<vmem>>
    %dma_wait3A_82 = arith.constant 0 : i32
    %dma_wait3A_83 = arith.constant 0 : i32
    %dma_wait3A_84 = tpu.memref_slice %arg4[%dma_wait3A_82, %dma_wait3A_83] : memref<1638400x128xf32, #tpu.memory_space<hbm>> -> memref<1638400x128xf32, #tpu.memory_space<hbm>>
    tpu.wait_indirect_dma semaphore(%arg21 : memref<!tpu.dma_semaphore, #tpu.memory_space<semaphore_mem>>) src(%arg7 : memref<128x128xf32, #tpu.memory_space<vmem>>) dst(%dma_wait3A_84 : memref<1638400x128xf32, #tpu.memory_space<hbm>>)
    return
  }
}

</mosaic_0001>

<sc_bundles>
// kernel: kernel.3.cloned.1.call-start
scs
__scs_entry_jumppad:
0x0: {  	(pc) =	sbr.rel $0x88, $3  }
0x1: {  	(tag) =	ssettag $0x0;
	lr =	simm.s32 $0x1  }
0x2: {  	[smem:$0x3F9F] =	sst lr;
	_ =	strace $0xD0000000  }
0x3: {  	_ = 	snop  }
0x4: {  	_ = 	snop  }
0x5: {  	_ = 	snop  }
0x6: {  	_ = 	snop  }
0x7: {  	_ = 	snop  }
__scs_overlays_trampoline_lowered:
0x8: {  	[smem:$0x3FAE] =	sst s0  }
0x9: {  	[smem:$0x3FAF] =	sst s1  }
0xa: {  	[smem:$0x3FB0] =	sst s2  }
0xb: {  	[smem:$0x3FB1] =	sst s3  }
0xc: {  	[smem:$0x3FB2] =	sst s4  }
0xd: {  	[smem:$0x3FB3] =	sst s5  }
0xe: {  	[smem:$0x3FB4] =	sst s6  }
0xf: {  	[smem:$0x3FB5] =	sst s7  }
0x10: {  	[smem:$0x3FB6] =	sst s8  }
0x11: {  	[smem:$0x3FB7] =	sst s9;
	s0 =	simm.s32 @!p0 $0x0  }
0x12: {  	s1 =	sld [smem:$0x3F9D];
	s0 =	simm.s32 @p0 $0x1  }
0x13: {  	[smem:$0x3FB8] =	sst s0;
	s0 =	simm.s32 @!p1 $0x0  }
0x14: {  	s2 =	sld [smem:$0x3F9C];
	s0 =	simm.s32 @p1 $0x1  }
0x15: {  	[smem:$0x3FB9] =	sst s0;
	s0 =	simm.s32 @!p2 $0x0  }
0x16: {  	s3 =	sld [smem:$0x3FDB];
	s0 =	simm.s32 @p2 $0x1  }
0x17: {  	s4 =	simm.s32 $0x1BF5;
	[smem:$0x3FBB] =	sst s0  }
0x18: {  	s0 =	sld [smem:$0x3F9E];
	_ =	swait.ge [sflag:s4], $0x0  }
0x19: {  	s7 =	sld [smem:$0x3F9F]  }
0x1a: {  	s8 =	sadd.s32 $0xFFFFE003, lr  }
0x1b: {  	s9 =	sadd.s32 $0xFFFFFEF7, lr;
	s5 =	simm.s32 $0xFFFFFFFF;
	p2 =	slt.u32 s8, $0xFFFFF086  }
0x1c: {  	p1 =	slt.u32 s9, $0xF7A;
	s5 =	simm.s32 @!p2 $0x0  }
0x1d: {  	s5 =	simm.s32 @p1 $0x1;
	p0 =	seq.s32 s7, s2  }
0x1e: {  	s7 =	smul.u32 @!p0 $0xF7A, s2;
	p2 =	seq.s32 @!p0 s5, $0x0  }
0x1f: {  	s9 =	smul.u32 $0xF7A, s1;
	s8 =	simm.s32 @!p0 $0x1BF5;
	p2 =	por !p2, p0  }
0x20: {  	[sflag:s8] =	ssyncset.s32 @!p0 $0xFFFFF086;
	s6 =	sadd.s32 @!p0 s3, s7;
	s7 =	simm.s32 @!p0 $0x108  }
0x21: {  	s3 =	sadd.s32 s3, s9;
	s6 =	sadd.s32 @!p0 $0x88, s6;
	s7 =	simm.s32 @p2 $0x1082  }
0x22: {  	[simem:s7], [sflag:s8] =	dma.local @!p0 [hbm:s6], $0xF7A  }
0x23: {  	s9 =	sor.u32 $0xD0000000, s2;
	s6 =	simm.s32 $0x108;
	_ =	swait.ge @!p0 [sflag:s8], $0x0  }
0x24: {  	s3 =	sadd.s32 $0x88, s3;
	s6 =	simm.s32 @!p1 $0x1082;
	[sflag:s4] =	ssyncset.s32 $0xFFFFF086  }
0x25: {  	[simem:s6], [sflag:s4] =	dma.local [hbm:s3], $0xF7A  }
0x26: {  	[smem:$0x3F9F] =	sst s1;
	(tag) =	ssettag s2;
	_ =	strace s9  }
0x27: {  	s1 =	sld [smem:$0x3FAF]  }
0x28: {  	s2 =	sld [smem:$0x3FB0]  }
0x29: {  	s4 =	sld [smem:$0x3FB2]  }
0x2a: {  	p0 =	seq.s32 s5, $0x0;
	s5 =	sld [smem:$0x3FB3]  }
0x2b: {  	s6 =	sld [smem:$0x3FB4]  }
0x2c: {  	s7 =	sld [smem:$0x3FB5]  }
0x2d: {  	s3 =	simm.s32 $0x108;
	s8 =	sld [smem:$0x3FB6]  }
0x2e: {  	s3 =	simm.s32 @!p0 $0x1082;
	s9 =	sld [smem:$0x3FB7]  }
0x2f: {  	lr =	sadd.s32 s0, s3;
	s0 =	sld [smem:$0x3FAE]  }
0x30: {  	s3 =	sld [smem:$0x3FB1]  }
0x31: {  	[smem:$0x3FBA] =	sst s10  }
0x32: {  	s10 =	sld [smem:$0x3FB8];
	_ =	sdelay $0x3  }
0x33: {  	p0 =	seq.s32 s10, $0x1;
	s10 =	sld [smem:$0x3FBA];
	_ =	sdelay $0x3  }
0x34: {  	[smem:$0x3FBA] =	sst s10  }
0x35: {  	s10 =	sld [smem:$0x3FB9];
	_ =	sdelay $0x3  }
0x36: {  	p1 =	seq.s32 s10, $0x1;
	s10 =	sld [smem:$0x3FBA];
	_ =	sdelay $0x3  }
0x37: {  	[smem:$0x3FBA] =	sst s10  }
0x38: {  	s10 =	sld [smem:$0x3FBB]  }
0x39: {  	_ = 	snop;
	(pc) =	sbr.ind lr, $3  }
0x3a: {  	_ = 	snop  }
0x3b: {  	_ = 	snop  }
0x3c: {  	p2 =	seq.s32 s10, $0x1;
	s10 =	sld [smem:$0x3FBA]  }
0x3d: {  	_ =	shalt  }
0x3e: {  	_ =	shalt  }
0x3f: {  	_ =	shalt  }
0x40: {  	_ =	shalt  }
0x41: {  	_ =	shalt  }
0x42: {  	_ =	shalt  }
0x43: {  	_ =	shalt  }
0x44: {  	_ =	shalt  }
0x45: {  	_ =	shalt  }
0x46: {  	_ =	shalt  }
0x47: {  	_ =	shalt  }
0x48: {  	_ =	shalt  }
0x49: {  	_ =	shalt  }
0x4a: {  	_ =	shalt  }
0x4b: {  	_ =	shalt  }
0x4c: {  	_ =	shalt  }
0x4d: {  	_ =	shalt  }
0x4e: {  	_ =	shalt  }
0x4f: {  	_ =	shalt  }
0x50: {  	_ =	shalt  }
0x51: {  	_ =	shalt  }
0x52: {  	_ =	shalt  }
0x53: {  	_ =	shalt  }
0x54: {  	_ =	shalt  }
0x55: {  	_ =	shalt  }
0x56: {  	_ =	shalt  }
0x57: {  	_ =	shalt  }
0x58: {  	_ =	shalt  }
0x59: {  	_ =	shalt  }
0x5a: {  	_ =	shalt  }
0x5b: {  	_ =	shalt  }
0x5c: {  	_ =	shalt  }
0x5d: {  	_ =	shalt  }
0x5e: {  	_ =	shalt  }
0x5f: {  	_ =	shalt  }
0x60: {  	_ =	shalt  }
0x61: {  	_ =	shalt  }
0x62: {  	_ =	shalt  }
0x63: {  	_ =	shalt  }
0x64: {  	_ =	shalt  }
0x65: {  	_ =	shalt  }
0x66: {  	_ =	shalt  }
0x67: {  	_ =	shalt  }
0x68: {  	_ =	shalt  }
0x69: {  	_ =	shalt  }
0x6a: {  	_ =	shalt  }
0x6b: {  	_ =	shalt  }
0x6c: {  	_ =	shalt  }
0x6d: {  	_ =	shalt  }
0x6e: {  	_ =	shalt  }
0x6f: {  	_ =	shalt  }
0x70: {  	_ =	shalt  }
0x71: {  	_ =	shalt  }
0x72: {  	_ =	shalt  }
0x73: {  	_ =	shalt  }
0x74: {  	_ =	shalt  }
0x75: {  	_ =	shalt  }
0x76: {  	_ =	shalt  }
0x77: {  	_ =	shalt  }
0x78: {  	_ =	shalt  }
0x79: {  	_ =	shalt  }
0x7a: {  	_ =	shalt  }
0x7b: {  	_ =	shalt  }
0x7c: {  	_ =	shalt  }
0x7d: {  	_ =	shalt  }
0x7e: {  	_ =	shalt  }
0x7f: {  	_ =	shalt  }
0x80: {  	_ =	shalt  }
0x81: {  	_ =	shalt  }
0x82: {  	_ =	shalt  }
0x83: {  	_ =	shalt  }
0x84: {  	_ =	shalt  }
0x85: {  	_ =	shalt  }
0x86: {  	_ =	shalt  }
0x87: {  	_ =	shalt  }
.Lfunc_end0:
.L_simem_size_0:
called_computation_lowered:
.L_overlay_start_0:
0x88: {  	s2 =	sld [smem:$0x3FD9]  }
0x89: {  	s3 =	sld [smem:$0x3FFE];
	_ =	sdelay $0x1  }
0x8a: {  	s1 =	srdreg.scid  }
0x8b: {  	s0 =	sand.u32 $0x1, s1  }
0x8c: {  	s17 =	sshll.u32 s0, $0xA;
	s2 =	sadd.s32 s3, s2  }
0x8d: {  	s2 =	sadd.s32 s2, s17  }
0x8e: {  	[smem:$0x3FC6] =	sst s2  }
0x8f: {  	_ = 	snop  }
0x90: {  	s2 =	sld [smem:$0x3FC9]  }
0x91: {  	s18 =	sld [smem:$0x3FD0];
	(tm) =	ssettm $0x1  }
0x92: {  	s4 =	sld [smem:$0x3FFB];
	_ =	sdelay $0x3  }
0x93: {  	_ =	strace s4  }
0x94: {  	s4 =	sld [smem:$0x3FFC];
	_ =	sdelay $0x3  }
0x95: {  	_ =	strace s4  }
0x96: {  	s4 =	sld [smem:$0x3FFD];
	_ =	sdelay $0x3  }
0x97: {  	_ =	strace s4  }
0x98: {  	_ =	strace $0x8FFFFFFF  }
0x99: {  	s19 =	sld [smem:$0x3FDB];
	_ =	sdelay $0x1  }
0x9a: {  	s5 =	simm.s32 $_scs_section_size  }
0x9b: {  	s6 =	simm.s32 $_size__tile_overlayer_lowered;
	s7 =	simm.s32 $_tile_overlayer_lowered  }
0x9c: {  	s22 =	simm.s32 $0x1BFF;
	s21 =	sshll.u32 s7, $0x1;
	s4 =	sadd.s32 s5, s19  }
0x9d: {  	s8 =	simm.s32 $0x0;
	s20 =	sshll.u32 s6, $0x1;
	s6 =	sadd.s32 s21, s4  }
0x9e: {  	[timem:s8], [sflag:s22] =	dma.local [hbm:s6], s20  }
0x9f: {  	_ =	swait.ge [sflag:s22], s20  }
0xa0: {  	s5 =	ssub.s32 $0x0, s20;
	[sflag:s22] =	ssyncset.done $0x0  }
0xa1: {  	[sflag:s22] =	ssyncadd.s32 s5;
	_ =	sdelay $0x1  }
0xa2: {  	s23 =	simm.s32 $0x1B8B  }
0xa3: {  	_ =	swait.ge [sflag:s23], $0x1  }
0xa4: {  	[sflag:s23] =	ssyncset.done $0x0  }
0xa5: {  	s25 =	simm.s32 $0x1B8E;
	s24 =	sld [smem:$0x3FFE];
	[sflag:s23] =	ssyncadd.s32 $0xFFFFFFFF  }
0xa6: {  	s26 =	simm.s32 $execute0_lowered;
	[smem:$0x3FD2] =	sst s25  }
0xa7: {  	s6 =	sshll.u32 s26, $0x1;
	_ =	strace $0x80000046;
	[dreg:$0x1] =	wrdreg $0xFFFFFFFF  }
0xa8: {  	s28 =	simm.s32 $_size_execute0_lowered;
	s4 =	sadd.s32 s4, s6;
	[dreg:$0x0] =	wrdreg $0x0  }
0xa9: {  	s6 =	sshll.u32 s28, $0x1;
	[dreg:$0x2] =	wrdreg s4  }
0xaa: {  	[dreg:$0x3] =	wrdreg s6  }
0xab: {  	[dreg:$0x4] =	wrdreg $0xC0  }
0xac: {  	_ =	task [dreg:s8], $0x5FFFF  }
0xad: {  	[dreg:$0x1] =	wrdreg $0xFFFFFFFF  }
0xae: {  	[dreg:$0x0] =	wrdreg $0x60  }
0xaf: {  	[dreg:$0x2] =	wrdreg s2  }
0xb0: {  	[dreg:$0x3] =	wrdreg s18  }
0xb1: {  	[dreg:$0x4] =	wrdreg s24  }
0xb2: {  	[dreg:$0x5] =	wrdreg $0x9  }
0xb3: {  	_ =	task.clear_ibuf [dreg:s8], $0x6FFFF;
	_ =	strace $0x90000046  }
0xb4: {  	s29 =	simm.s32 $0x9;
	_ =	strace $0x80000048  }
0xb5: {  	_ =	swait.ge [sflag:s29], $0x1  }
0xb6: {  	[sflag:s29] =	ssyncadd.s32 $0xFFFFFFFF  }
0xb7: {  	_ =	strace $0x90000048  }
0xb8: {  	_ =	sfence  }
0xb9: {  	s30 =	sld [smem:$0x0];
	_ =	sdelay $0x2  }
0xba: {  	s31 =	sshll.u32 s1, $0xD;
	s1 =	sshrl.u32 s1, $0x2  }
0xbb: {  	s3 =	sand.u32 $0x4000, s31;
	s1 =	sadd.s32 s1, s30  }
0xbc: {  	s0 =	sor.u32 s3, s0;
	s1 =	sshll.u32 s1, $0x11  }
0xbd: {  	s0 =	sor.u32 s1, s0  }
0xbe: {  	s0 =	sadd.s32 $0x8F2B, s0  }
0xbf: {  	[sflag:s0] =	ssyncadd.remote.s32 $0x1  }
0xc0: {  	_ =	sfence.sel $0xFFFF  }
0xc1: {  	[dreg:$0x0] =	wrdreg $0xFFFFFFFF;
	(pc) =	sbr.abs _section_cstart, $3  }
0xc2: {  	[dreg:$0x1] =	wrdreg $0xFFFFFFFF  }
0xc3: {  	_ =	task.clear_ibuf [dreg:s8], $0x2FFFF;
	_ =	strace $0x9FFFFFFF  }
0xc4: {  	(tm) =	ssettm $0x7FFFFFFF  }
0xc5: {  	_ =	shalt  }
tec
execute0_lowered:
.L_overlay_start_1:
0x0: {  	(tag) =	ssettag $0x1  }
0x1: {  	s1 =	rddreg [dreg:$0x0]  }
0x2: {  	s0 =	srdreg.scid;
	s4 =	rddreg [dreg:$0x1]  }
0x3: {  	s12 =	stileid.u32;
	s5 =	rddreg [dreg:$0x2]  }
0x4: {  	s13 =	simm.s32 $0x0;
	s23 =	simm.s32 $0x1A400;
	s24 =	simm.s32 $0x1A600  }
0x5: {  	s25 =	simm.s32 $0x1A480;
	s26 =	simm.s32 $0x1A680;
	[smem:$0x7FF] =	sst s13  }
0x6: {  	s28 =	simm.s32 $0x1A500;
	_ =	strace $0x80000047;
	[dreg:$0x5] =	wrdreg s23  }
0x7: {  	s29 =	simm.s32 $0x1A700;
	s30 =	simm.s32 $0x1A580;
	[dreg:$0x6] =	wrdreg s24  }
0x8: {  	s0 =	sand.u32 $0x1, s0;
	s9 =	smul.u32 $0x640000, s12;
	[dreg:$0x7] =	wrdreg s25  }
0x9: {  	s2 =	sshll.u32 s12, $0x1;
	s16 =	smul.u32 $0xC800, s12;
	[dreg:$0x8] =	wrdreg s26  }
0xa: {  	s12 =	simm.s32 $0xE400;
	s3 =	sor.u32 s0, s2;
	[dreg:$0x9] =	wrdreg s28  }
0xb: {  	s8 =	ssub.s32 $0x2, s0;
	s11 =	smul.u32 $0x320000, s0;
	[dreg:$0xa] =	wrdreg s29  }
0xc: {  	s0 =	smul.u32 $0x6400, s0;
	[dreg:$0xb] =	wrdreg s30;
	s25 =	simm.s32 $0xA  }
0xd: {  	s26 =	simm.s32 $0x4;
	s6 =	smul.u32 $0x6400, s3;
	s10 =	sshrl.u32 s8, $0x1  }
0xe: {  	s7 =	smul.u32 $0x64000, s3;
	s3 =	sadd.s32 $0x400, s5;
	s31 =	ssub.s32 s8, s10  }
0xf: {  	s10 =	sadd.s32 s11, s9;
	s0 =	sadd.s32 s0, s16;
	s16 =	simm.s32 $0x2  }
0x10: {  	s6 =	sshrl.u32 s6, $0x3;
	s8 =	sadd.s32 s1, s7;
	s11 =	smax.u32 s31, $0x1  }
0x11: {  	s14 =	sor.u32 $0x14000, s10;
	s15 =	sor.u32 $0x10000, s10;
	[dreg:$0x4] =	wrdreg s0  }
0x12: {  	s20 =	sor.u32 $0x8000, s10;
	s31 =	simm.s32 $0x1A780;
	[dreg:$0xe] =	wrdreg s8  }
0x13: {  	s6 =	sadd.s32 s4, s6;
	s2 =	sadd.s32 $0x800, s8;
	[dreg:$0x10] =	wrdreg s11  }
0x14: {  	s5 =	sshrl.u32 s14, $0x3;
	s18 =	sshrl.u32 s15, $0x3;
	s4 =	sor.u32 $0xC000, s10  }
0x15: {  	s10 =	simm.s32 $0x6400;
	s11 =	simm.s32 $0xA400;
	[dreg:$0xc] =	wrdreg s31  }
0x16: {  	s14 =	simm.s32 $0x1;
	s15 =	simm.s32 $0x12400;
	[dreg:$0xd] =	wrdreg s6  }
0x17: {  	[dreg:$0xf] =	wrdreg s2;
	s17 =	sadd.s32 s5, s1;
	s19 =	sadd.s32 s18, s1  }
0x18: {  	s5 =	sshrl.u32 s20, $0x3;
	s4 =	sshrl.u32 s4, $0x3;
	s18 =	simm.s32 $0x16400  }
0x19: {  	s20 =	simm.s32 $0x9;
	s2 =	simm.s32 $0x0;
	[dreg:$0x11] =	wrdreg s17  }
0x1a: {  	[dreg:$0x12] =	wrdreg s19;
	s21 =	sadd.s32 s5, s1;
	s22 =	sadd.s32 s4, s1  }
0x1b: {  	v1 =	vlaneseq.u32;
	s17 =	simm.s32 $0x80;
	s19 =	simm.s32 $0x5;
	[dreg:$0x13] =	wrdreg s21  }
0x1c: {  	v0 =	vimm.f32 $0.0e+00;
	v1 =	vmul.u32 $0x2, v1;
	[dreg:$0x14] =	wrdreg s22;
	s21 =	simm.s32 $0x3;
	s22 =	simm.s32 $0x6  }
.LBB2_1:
0x1d: {  	[dreg:$0x15] =	wrdreg s2  }
0x1e: {  	s0 =	rddreg [dreg:$0xd];
	s31 =	simm.s32 $0xD  }
0x1f: {  	[tilespmem:s13], [sflag:$0xD] =	stream.linear.gather [hbm4b:s0+s13], $0x6400, $0x38;
	[tilespmem:$0x1A800] =	vst v63  }
0x20: {  	_ =	swait.ge [sflag:s31], $0x6400  }
0x21: {  	[sflag:s31] =	ssyncset.done $0x0  }
0x22: {  	s4 =	simm.s32 $0x200;
	s0 =	simm.s32 $0x0;
	[sflag:s31] =	ssyncadd.s32 $0xFFFF9C00  }
.LBB2_2:
0x23: {  	p0 =	sne.s32 s4, $0xFE00;
	[tilespmem:s0+$0x16470] =	vst v0  }
0x24: {  	[tilespmem:s0+$0x16400] =	vst v0  }
0x25: {  	[tilespmem:s0+$0x16410] =	vst v0  }
.Ltmp0:
0x26: {  	[tilespmem:s0+$0x16420] =	vst v0;
	(pc) =	sbr.rel @p0 .LBB2_2-.Ltmp0, $4  }
0x27: {  	[tilespmem:s0+$0x16430] =	vst v0  }
0x28: {  	[tilespmem:s0+$0x16440] =	vst v0  }
0x29: {  	[tilespmem:s0+$0x16450] =	vst v0  }
0x2a: {  	[tilespmem:s0+$0x16460] =	vst v0;
	s0 =	sshra.s32 s4, $0x2;
	s4 =	sadd.s32 $0x200, s4  }
0x2b: {  	[tilespmem:s0+$0x16470] =	vst v0  }
0x2c: {  	[tilespmem:s0+$0x16400] =	vst v0  }
0x2d: {  	[tilespmem:s0+$0x16410] =	vst v0  }
0x2e: {  	[tilespmem:s0+$0x16420] =	vst v0  }
0x2f: {  	[tilespmem:s0+$0x16430] =	vst v0  }
0x30: {  	[tilespmem:s0+$0x16440] =	vst v0  }
0x31: {  	[tilespmem:s0+$0x16450] =	vst v0  }
0x32: {  	[tilespmem:s0+$0x16460] =	vst v0;
	s8 =	simm.s32 $0x0;
	s1 =	rddreg [dreg:$0xe];
	p0 =	por $0x1, $0x1  }
0x33: {  	[tilespmem:s10], [sflag:$0x1] =	stream.linear.gather [hbm4b:s1+s8], $0x4000, $0x38;
	[tilespmem:$0x1A800] =	vst v63  }
0x34: {  	s9 =	rddreg [dreg:$0xf];
	s0 =	simm.s32 @!p0 $0x7  }
0x35: {  	[tilespmem:s11], [sflag:$0x2] =	stream.linear.gather [hbm4b:s9+s8], $0x4000, $0x38;
	[tilespmem:$0x1A800] =	vst v63  }
0x36: {  	_ =	swait.ge @!p0 [sflag:s0], $0x4000  }
0x37: {  	[sflag:s0] =	ssyncset.done @!p0 $0x0  }
0x38: {  	[sflag:s0] =	ssyncadd.s32 @!p0 $0xFFFFC000;
	s0 =	simm.s32 @!p0 $0xB  }
0x39: {  	_ =	swait.ge @!p0 [sflag:s0], $0x4000  }
0x3a: {  	[sflag:s0] =	ssyncset.done @!p0 $0x0  }
0x3b: {  	s2 =	rddreg [dreg:$0x13];
	[sflag:s0] =	ssyncadd.s32 @!p0 $0xFFFFC000  }
0x3c: {  	[tilespmem:s12], [sflag:$0x3] =	stream.linear.gather [hbm4b:s2+s13], $0x4000, $0x38;
	[tilespmem:$0x1A800] =	vst v63  }
0x3d: {  	s4 =	rddreg [dreg:$0x4];
	_ =	swait.ge [sflag:s14], $0x4000  }
0x3e: {  	[sflag:s14] =	ssyncset.done $0x0  }
0x3f: {  	s0 =	simm.s32 $0x100;
	[sflag:s14] =	ssyncadd.s32 $0xFFFFC000  }
0x40: {  	s4 =	sadd.s32 $0x0, s4;
	v2 =	vld [tilespmem:s0+$0xFFFFFF00]  }
0x41: {  	v3 =	vmov s4  }
0x42: {  	v3 =	vshll.u32 v3, $0x1  }
0x43: {  	v3 =	vor.u32 v1, v3  }
0x44: {  	v4 =	vor.u32 $0x1, v3  }
0x45: {  	v4 =	vsub.s32 v4, v2  }
0x46: {  	v2 =	vadd.s32 v3, v2;
	[tilespmem:$0x1A400] =	vst v4  }
0x47: {  	[tilespmem:$0x1A600] =	vst v2  }
0x48: {  	s5 =	sadd.s32 $0x10, s4;
	v2 =	vld [tilespmem:s0+$0xFFFFFF10]  }
0x49: {  	v3 =	vmov s5  }
0x4a: {  	v3 =	vshll.u32 v3, $0x1  }
0x4b: {  	v3 =	vor.u32 v1, v3  }
0x4c: {  	v4 =	vor.u32 $0x1, v3  }
0x4d: {  	v4 =	vsub.s32 v4, v2  }
0x4e: {  	v2 =	vadd.s32 v3, v2;
	[tilespmem:$0x1A410] =	vst v4  }
0x4f: {  	[tilespmem:$0x1A610] =	vst v2  }
0x50: {  	s23 =	sadd.s32 $0x20, s4;
	v2 =	vld [tilespmem:s0+$0xFFFFFF20]  }
0x51: {  	v3 =	vmov s23  }
0x52: {  	v3 =	vshll.u32 v3, $0x1  }
0x53: {  	v3 =	vor.u32 v1, v3  }
0x54: {  	v4 =	vor.u32 $0x1, v3  }
0x55: {  	v4 =	vsub.s32 v4, v2  }
0x56: {  	v2 =	vadd.s32 v3, v2;
	[tilespmem:$0x1A420] =	vst v4  }
0x57: {  	[tilespmem:$0x1A620] =	vst v2  }
0x58: {  	s24 =	sadd.s32 $0x30, s4;
	v2 =	vld [tilespmem:s0+$0xFFFFFF30]  }
0x59: {  	v3 =	vmov s24  }
0x5a: {  	v3 =	vshll.u32 v3, $0x1  }
0x5b: {  	v3 =	vor.u32 v1, v3  }
0x5c: {  	v4 =	vor.u32 $0x1, v3  }
0x5d: {  	v4 =	vsub.s32 v4, v2  }
0x5e: {  	v2 =	vadd.s32 v3, v2;
	[tilespmem:$0x1A430] =	vst v4  }
0x5f: {  	[tilespmem:$0x1A630] =	vst v2  }
0x60: {  	s28 =	sadd.s32 $0x40, s4;
	v2 =	vld [tilespmem:s0+$0xFFFFFF40]  }
0x61: {  	v3 =	vmov s28  }
0x62: {  	v3 =	vshll.u32 v3, $0x1  }
0x63: {  	v3 =	vor.u32 v1, v3  }
0x64: {  	v4 =	vor.u32 $0x1, v3  }
0x65: {  	v4 =	vsub.s32 v4, v2  }
0x66: {  	v2 =	vadd.s32 v3, v2;
	[tilespmem:$0x1A440] =	vst v4  }
0x67: {  	[tilespmem:$0x1A640] =	vst v2  }
0x68: {  	s29 =	sadd.s32 $0x50, s4;
	v2 =	vld [tilespmem:s0+$0xFFFFFF50]  }
0x69: {  	v3 =	vmov s29  }
0x6a: {  	v3 =	vshll.u32 v3, $0x1  }
0x6b: {  	v3 =	vor.u32 v1, v3  }
0x6c: {  	v4 =	vor.u32 $0x1, v3  }
0x6d: {  	v4 =	vsub.s32 v4, v2  }
0x6e: {  	v2 =	vadd.s32 v3, v2;
	[tilespmem:$0x1A450] =	vst v4  }
0x6f: {  	[tilespmem:$0x1A650] =	vst v2  }
0x70: {  	s30 =	sadd.s32 $0x60, s4;
	v2 =	vld [tilespmem:s0+$0xFFFFFF60]  }
0x71: {  	v3 =	vmov s30  }
0x72: {  	v3 =	vshll.u32 v3, $0x1  }
0x73: {  	v3 =	vor.u32 v1, v3  }
0x74: {  	v4 =	vor.u32 $0x1, v3  }
0x75: {  	v4 =	vsub.s32 v4, v2  }
0x76: {  	v2 =	vadd.s32 v3, v2;
	[tilespmem:$0x1A460] =	vst v4  }
0x77: {  	[tilespmem:$0x1A660] =	vst v2  }
0x78: {  	s31 =	sadd.s32 $0x70, s4;
	v2 =	vld [tilespmem:s0+$0xFFFFFF70]  }
0x79: {  	v3 =	vmov s31  }
0x7a: {  	v3 =	vshll.u32 v3, $0x1  }
0x7b: {  	v3 =	vor.u32 v1, v3  }
0x7c: {  	v4 =	vor.u32 $0x1, v3  }
0x7d: {  	v4 =	vsub.s32 v4, v2  }
0x7e: {  	v2 =	vadd.s32 v3, v2;
	[tilespmem:$0x1A470] =	vst v4  }
0x7f: {  	s1 =	rddreg [dreg:$0x5];
	[tilespmem:$0x1A670] =	vst v2  }
0x80: {  	[hbm4b:s3+s17] =	stream.indirect.scatter [tilespmem:s10], [sflag:$0x5], $0x80, s1, s17, $0xb8;
	[tilespmem:$0x1A800] =	vst v63  }
0x81: {  	s6 =	rddreg [dreg:$0x6];
	s5 =	simm.s32 @!p0 $0x8  }
0x82: {  	[hbm4b:s3+s17] =	stream.indirect.scatter [tilespmem:s18], [sflag:$0x9], $0x80, s6, s17, $0xb8;
	[tilespmem:$0x1A800] =	vst v63  }
0x83: {  	_ =	swait.ge @!p0 [sflag:s5], $0x4000  }
0x84: {  	[sflag:s5] =	ssyncset.done @!p0 $0x0  }
0x85: {  	[sflag:s5] =	ssyncadd.s32 @!p0 $0xFFFFC000;
	s5 =	simm.s32 @!p0 $0xC  }
0x86: {  	_ =	swait.ge @!p0 [sflag:s5], $0x4000  }
0x87: {  	[sflag:s5] =	ssyncset.done @!p0 $0x0  }
0x88: {  	s10 =	rddreg [dreg:$0x14];
	[sflag:s5] =	ssyncadd.s32 @!p0 $0xFFFFC000  }
0x89: {  	[tilespmem:s15], [sflag:$0x4] =	stream.linear.gather [hbm4b:s10+s13], $0x4000, $0x38;
	[tilespmem:$0x1A800] =	vst v63  }
0x8a: {  	_ =	swait.ge [sflag:s16], $0x4000  }
0x8b: {  	[sflag:s16] =	ssyncset.done $0x0  }
0x8c: {  	[sflag:s16] =	ssyncadd.s32 $0xFFFFC000  }
0x8d: {  	s6 =	sadd.s32 $0x80, s4;
	v2 =	vld [tilespmem:s0+$0xFFFFFF80]  }
0x8e: {  	v3 =	vmov s6  }
0x8f: {  	v3 =	vshll.u32 v3, $0x1  }
0x90: {  	v3 =	vor.u32 v1, v3  }
0x91: {  	v4 =	vor.u32 $0x1, v3  }
0x92: {  	v4 =	vsub.s32 v4, v2  }
0x93: {  	v2 =	vadd.s32 v3, v2;
	[tilespmem:$0x1A480] =	vst v4  }
0x94: {  	[tilespmem:$0x1A680] =	vst v2  }
0x95: {  	s7 =	sadd.s32 $0x90, s4;
	v2 =	vld [tilespmem:s0+$0xFFFFFF90]  }
0x96: {  	v3 =	vmov s7  }
0x97: {  	v3 =	vshll.u32 v3, $0x1  }
0x98: {  	v3 =	vor.u32 v1, v3  }
0x99: {  	v4 =	vor.u32 $0x1, v3  }
0x9a: {  	v4 =	vsub.s32 v4, v2  }
0x9b: {  	v2 =	vadd.s32 v3, v2;
	[tilespmem:$0x1A490] =	vst v4  }
0x9c: {  	[tilespmem:$0x1A690] =	vst v2  }
0x9d: {  	s8 =	sadd.s32 $0xA0, s4;
	v2 =	vld [tilespmem:s0+$0xFFFFFFA0]  }
0x9e: {  	v3 =	vmov s8  }
0x9f: {  	v3 =	vshll.u32 v3, $0x1  }
0xa0: {  	v3 =	vor.u32 v1, v3  }
0xa1: {  	v4 =	vor.u32 $0x1, v3  }
0xa2: {  	v4 =	vsub.s32 v4, v2  }
0xa3: {  	v2 =	vadd.s32 v3, v2;
	[tilespmem:$0x1A4A0] =	vst v4  }
0xa4: {  	[tilespmem:$0x1A6A0] =	vst v2  }
0xa5: {  	s9 =	sadd.s32 $0xB0, s4;
	v2 =	vld [tilespmem:s0+$0xFFFFFFB0]  }
0xa6: {  	v3 =	vmov s9  }
0xa7: {  	v3 =	vshll.u32 v3, $0x1  }
0xa8: {  	v3 =	vor.u32 v1, v3  }
0xa9: {  	v4 =	vor.u32 $0x1, v3  }
0xaa: {  	v4 =	vsub.s32 v4, v2  }
0xab: {  	v2 =	vadd.s32 v3, v2;
	[tilespmem:$0x1A4B0] =	vst v4  }
0xac: {  	[tilespmem:$0x1A6B0] =	vst v2  }
0xad: {  	s16 =	sadd.s32 $0xC0, s4;
	v2 =	vld [tilespmem:s0+$0xFFFFFFC0]  }
0xae: {  	v3 =	vmov s16  }
0xaf: {  	v3 =	vshll.u32 v3, $0x1  }
0xb0: {  	v3 =	vor.u32 v1, v3  }
0xb1: {  	v4 =	vor.u32 $0x1, v3  }
0xb2: {  	v4 =	vsub.s32 v4, v2  }
0xb3: {  	v2 =	vadd.s32 v3, v2;
	[tilespmem:$0x1A4C0] =	vst v4  }
0xb4: {  	[tilespmem:$0x1A6C0] =	vst v2  }
0xb5: {  	s23 =	sadd.s32 $0xD0, s4;
	v2 =	vld [tilespmem:s0+$0xFFFFFFD0]  }
0xb6: {  	v3 =	vmov s23  }
0xb7: {  	v3 =	vshll.u32 v3, $0x1  }
0xb8: {  	v3 =	vor.u32 v1, v3  }
0xb9: {  	v4 =	vor.u32 $0x1, v3  }
0xba: {  	v4 =	vsub.s32 v4, v2  }
0xbb: {  	v2 =	vadd.s32 v3, v2;
	[tilespmem:$0x1A4D0] =	vst v4  }
0xbc: {  	[tilespmem:$0x1A6D0] =	vst v2  }
0xbd: {  	s24 =	sadd.s32 $0xE0, s4;
	v2 =	vld [tilespmem:s0+$0xFFFFFFE0]  }
0xbe: {  	v3 =	vmov s24  }
0xbf: {  	v3 =	vshll.u32 v3, $0x1  }
0xc0: {  	v3 =	vor.u32 v1, v3  }
0xc1: {  	v4 =	vor.u32 $0x1, v3  }
0xc2: {  	v4 =	vsub.s32 v4, v2  }
0xc3: {  	v2 =	vadd.s32 v3, v2;
	[tilespmem:$0x1A4E0] =	vst v4  }
0xc4: {  	[tilespmem:$0x1A6E0] =	vst v2  }
0xc5: {  	s28 =	sadd.s32 $0xF0, s4;
	v2 =	vld [tilespmem:s0+$0xFFFFFFF0]  }
0xc6: {  	v3 =	vmov s28  }
0xc7: {  	v3 =	vshll.u32 v3, $0x1  }
0xc8: {  	v3 =	vor.u32 v1, v3  }
0xc9: {  	v4 =	vor.u32 $0x1, v3  }
0xca: {  	v4 =	vsub.s32 v4, v2  }
0xcb: {  	v2 =	vadd.s32 v3, v2;
	[tilespmem:$0x1A4F0] =	vst v4  }
0xcc: {  	s29 =	rddreg [dreg:$0x7];
	[tilespmem:$0x1A6F0] =	vst v2  }
0xcd: {  	[hbm4b:s3+s17] =	stream.indirect.scatter [tilespmem:s11], [sflag:$0x6], $0x80, s29, s17, $0xb8;
	[tilespmem:$0x1A800] =	vst v63  }
0xce: {  	s30 =	rddreg [dreg:$0x8]  }
0xcf: {  	[hbm4b:s3+s17] =	stream.indirect.scatter [tilespmem:s18], [sflag:$0xA], $0x80, s30, s17, $0xb8;
	[tilespmem:$0x1A800] =	vst v63  }
0xd0: {  	_ =	swait.ge [sflag:s19], $0x4000  }
0xd1: {  	[sflag:s19] =	ssyncset.done $0x0  }
0xd2: {  	[sflag:s19] =	ssyncadd.s32 $0xFFFFC000  }
0xd3: {  	p0 =	por $0x0, $0x0;
	_ =	swait.ge [sflag:s20], $0x4000  }
0xd4: {  	s5 =	simm.s32 @!p0 $0x0;
	[sflag:s20] =	ssyncset.done $0x0  }
0xd5: {  	s6 =	simm.s32 @!p0 $0x6400;
	s9 =	rddreg [dreg:$0x12];
	[sflag:s20] =	ssyncadd.s32 $0xFFFFC000  }
0xd6: {  	[tilespmem:s6], [sflag:$0x1] =	stream.linear.gather @!p0 [hbm4b:s9+s5], $0x4000, $0x38;
	[tilespmem:$0x1A800] =	vst v63  }
0xd7: {  	_ =	swait.ge [sflag:s21], $0x4000  }
0xd8: {  	[sflag:s21] =	ssyncset.done $0x0  }
0xd9: {  	[sflag:s21] =	ssyncadd.s32 $0xFFFFC000  }
0xda: {  	s31 =	sadd.s32 $0x100, s4;
	v2 =	vld [tilespmem:s0+$0x0]  }
0xdb: {  	v3 =	vmov s31  }
0xdc: {  	v3 =	vshll.u32 v3, $0x1  }
0xdd: {  	v3 =	vor.u32 v1, v3  }
0xde: {  	v4 =	vor.u32 $0x1, v3  }
0xdf: {  	v4 =	vsub.s32 v4, v2  }
0xe0: {  	v2 =	vadd.s32 v3, v2;
	[tilespmem:$0x1A500] =	vst v4  }
0xe1: {  	[tilespmem:$0x1A700] =	vst v2  }
0xe2: {  	s1 =	sadd.s32 $0x110, s4;
	v2 =	vld [tilespmem:s0+$0x10]  }
0xe3: {  	v3 =	vmov s1  }
0xe4: {  	v3 =	vshll.u32 v3, $0x1  }
0xe5: {  	v3 =	vor.u32 v1, v3  }
0xe6: {  	v4 =	vor.u32 $0x1, v3  }
0xe7: {  	v4 =	vsub.s32 v4, v2  }
0xe8: {  	v2 =	vadd.s32 v3, v2;
	[tilespmem:$0x1A510] =	vst v4  }
0xe9: {  	[tilespmem:$0x1A710] =	vst v2  }
0xea: {  	s7 =	sadd.s32 $0x120, s4;
	v2 =	vld [tilespmem:s0+$0x20]  }
0xeb: {  	v3 =	vmov s7  }
0xec: {  	v3 =	vshll.u32 v3, $0x1  }
0xed: {  	v3 =	vor.u32 v1, v3  }
0xee: {  	v4 =	vor.u32 $0x1, v3  }
0xef: {  	v4 =	vsub.s32 v4, v2  }
0xf0: {  	v2 =	vadd.s32 v3, v2;
	[tilespmem:$0x1A520] =	vst v4  }
0xf1: {  	[tilespmem:$0x1A720] =	vst v2  }
0xf2: {  	s8 =	sadd.s32 $0x130, s4;
	v2 =	vld [tilespmem:s0+$0x30]  }
0xf3: {  	v3 =	vmov s8  }
0xf4: {  	v3 =	vshll.u32 v3, $0x1  }
0xf5: {  	v3 =	vor.u32 v1, v3  }
0xf6: {  	v4 =	vor.u32 $0x1, v3  }
0xf7: {  	v4 =	vsub.s32 v4, v2  }
0xf8: {  	v2 =	vadd.s32 v3, v2;
	[tilespmem:$0x1A530] =	vst v4  }
0xf9: {  	[tilespmem:$0x1A730] =	vst v2  }
0xfa: {  	s11 =	sadd.s32 $0x140, s4;
	v2 =	vld [tilespmem:s0+$0x40]  }
0xfb: {  	v3 =	vmov s11  }
0xfc: {  	v3 =	vshll.u32 v3, $0x1  }
0xfd: {  	v3 =	vor.u32 v1, v3  }
0xfe: {  	v4 =	vor.u32 $0x1, v3  }
0xff: {  	v4 =	vsub.s32 v4, v2  }
0x100: {  	v2 =	vadd.s32 v3, v2;
	[tilespmem:$0x1A540] =	vst v4  }
0x101: {  	[tilespmem:$0x1A740] =	vst v2  }
0x102: {  	s16 =	sadd.s32 $0x150, s4;
	v2 =	vld [tilespmem:s0+$0x50]  }
0x103: {  	v3 =	vmov s16  }
0x104: {  	v3 =	vshll.u32 v3, $0x1  }
0x105: {  	v3 =	vor.u32 v1, v3  }
0x106: {  	v4 =	vor.u32 $0x1, v3  }
0x107: {  	v4 =	vsub.s32 v4, v2  }
0x108: {  	v2 =	vadd.s32 v3, v2;
	[tilespmem:$0x1A550] =	vst v4  }
0x109: {  	[tilespmem:$0x1A750] =	vst v2  }
0x10a: {  	s19 =	sadd.s32 $0x160, s4;
	v2 =	vld [tilespmem:s0+$0x60]  }
0x10b: {  	v3 =	vmov s19  }
0x10c: {  	v3 =	vshll.u32 v3, $0x1  }
0x10d: {  	v3 =	vor.u32 v1, v3  }
0x10e: {  	v4 =	vor.u32 $0x1, v3  }
0x10f: {  	v4 =	vsub.s32 v4, v2  }
0x110: {  	v2 =	vadd.s32 v3, v2;
	[tilespmem:$0x1A560] =	vst v4  }
0x111: {  	[tilespmem:$0x1A760] =	vst v2  }
0x112: {  	s20 =	sadd.s32 $0x170, s4;
	v2 =	vld [tilespmem:s0+$0x70]  }
0x113: {  	v3 =	vmov s20  }
0x114: {  	v3 =	vshll.u32 v3, $0x1  }
0x115: {  	v3 =	vor.u32 v1, v3  }
0x116: {  	v4 =	vor.u32 $0x1, v3  }
0x117: {  	v4 =	vsub.s32 v4, v2  }
0x118: {  	v2 =	vadd.s32 v3, v2;
	[tilespmem:$0x1A570] =	vst v4  }
0x119: {  	s21 =	rddreg [dreg:$0x9];
	[tilespmem:$0x1A770] =	vst v2  }
0x11a: {  	[hbm4b:s3+s17] =	stream.indirect.scatter [tilespmem:s12], [sflag:$0x7], $0x80, s21, s17, $0xb8;
	[tilespmem:$0x1A800] =	vst v63  }
0x11b: {  	s7 =	rddreg [dreg:$0xa]  }
0x11c: {  	[hbm4b:s3+s17] =	stream.indirect.scatter [tilespmem:s18], [sflag:$0xB], $0x80, s7, s17, $0xb8;
	[tilespmem:$0x1A800] =	vst v63  }
0x11d: {  	_ =	swait.ge [sflag:s22], $0x4000  }
0x11e: {  	[sflag:s22] =	ssyncset.done $0x0  }
0x11f: {  	[sflag:s22] =	ssyncadd.s32 $0xFFFFC000  }
0x120: {  	_ =	swait.ge [sflag:s25], $0x4000  }
0x121: {  	[sflag:s25] =	ssyncset.done $0x0  }
0x122: {  	s6 =	simm.s32 @!p0 $0xA400;
	s1 =	rddreg [dreg:$0x11];
	[sflag:s25] =	ssyncadd.s32 $0xFFFFC000  }
0x123: {  	[tilespmem:s6], [sflag:$0x2] =	stream.linear.gather @!p0 [hbm4b:s1+s5], $0x4000, $0x38;
	[tilespmem:$0x1A800] =	vst v63  }
0x124: {  	_ =	swait.ge [sflag:s26], $0x4000  }
0x125: {  	[sflag:s26] =	ssyncset.done $0x0  }
0x126: {  	[sflag:s26] =	ssyncadd.s32 $0xFFFFC000  }
0x127: {  	s22 =	sadd.s32 $0x180, s4;
	v2 =	vld [tilespmem:s0+$0x80]  }
0x128: {  	v3 =	vmov s22  }
0x129: {  	v3 =	vshll.u32 v3, $0x1  }
0x12a: {  	v3 =	vor.u32 v1, v3  }
0x12b: {  	v4 =	vor.u32 $0x1, v3  }
0x12c: {  	v4 =	vsub.s32 v4, v2  }
0x12d: {  	v2 =	vadd.s32 v3, v2;
	[tilespmem:$0x1A580] =	vst v4  }
0x12e: {  	[tilespmem:$0x1A780] =	vst v2  }
0x12f: {  	s23 =	sadd.s32 $0x190, s4;
	v2 =	vld [tilespmem:s0+$0x90]  }
0x130: {  	v3 =	vmov s23  }
0x131: {  	v3 =	vshll.u32 v3, $0x1  }
0x132: {  	v3 =	vor.u32 v1, v3  }
0x133: {  	v4 =	vor.u32 $0x1, v3  }
0x134: {  	v4 =	vsub.s32 v4, v2  }
0x135: {  	v2 =	vadd.s32 v3, v2;
	[tilespmem:$0x1A590] =	vst v4  }
0x136: {  	[tilespmem:$0x1A790] =	vst v2  }
0x137: {  	s24 =	sadd.s32 $0x1A0, s4;
	v2 =	vld [tilespmem:s0+$0xA0]  }
0x138: {  	v3 =	vmov s24  }
0x139: {  	v3 =	vshll.u32 v3, $0x1  }
0x13a: {  	v3 =	vor.u32 v1, v3  }
0x13b: {  	v4 =	vor.u32 $0x1, v3  }
0x13c: {  	v4 =	vsub.s32 v4, v2  }
0x13d: {  	v2 =	vadd.s32 v3, v2;
	[tilespmem:$0x1A5A0] =	vst v4  }
0x13e: {  	[tilespmem:$0x1A7A0] =	vst v2  }
0x13f: {  	s28 =	sadd.s32 $0x1B0, s4;
	v2 =	vld [tilespmem:s0+$0xB0]  }
0x140: {  	v3 =	vmov s28  }
0x141: {  	v3 =	vshll.u32 v3, $0x1  }
0x142: {  	v3 =	vor.u32 v1, v3  }
0x143: {  	s29 =	sadd.s32 $0x1C0, s4;
	v4 =	vor.u32 $0x1, v3  }
0x144: {  	v5 =	vmov s29;
	v4 =	vsub.s32 v4, v2  }
0x145: {  	s31 =	sadd.s32 $0x1E0, s4;
	s30 =	sadd.s32 $0x1D0, s4;
	v5 =	vshll.u32 v5, $0x1;
	s8 =	sadd.s32 $0x1F0, s4;
	v2 =	vadd.s32 v3, v2;
	[tilespmem:$0x1A5B0] =	vst v4  }
0x146: {  	v6 =	vmov s30;
	v7 =	vmov s8;
	s7 =	sadd.s32 $0x2000, s10;
	s4 =	simm.s32 $0x200;
	v3 =	vmov s31;
	[tilespmem:$0x1A7B0] =	vst v2  }
0x147: {  	s8 =	smov.u32 s1;
	s6 =	sadd.s32 $0x2000, s2;
	s5 =	simm.s32 $0x300;
	v4 =	vshll.u32 v6, $0x1;
	v3 =	vshll.u32 v3, $0x1;
	v2 =	vshll.u32 v7, $0x1;
	v6 =	vld [tilespmem:s0+$0xC0]  }
.LBB2_4:
0x148: {  	_ =	sdelay $0x1  }
0x149: {  	v5 =	vor.u32 v1, v5  }
0x14a: {  	v7 =	vor.u32 $0x1, v5  }
0x14b: {  	v7 =	vsub.s32 v7, v6  }
0x14c: {  	v5 =	vadd.s32 v5, v6;
	[tilespmem:$0x1A5C0] =	vst v7  }
0x14d: {  	[tilespmem:$0x1A7C0] =	vst v5  }
0x14e: {  	v5 =	vld [tilespmem:s0+$0xD0];
	_ =	sdelay $0x2  }
0x14f: {  	v4 =	vor.u32 v1, v4  }
0x150: {  	v6 =	vor.u32 $0x1, v4  }
0x151: {  	v6 =	vsub.s32 v6, v5  }
0x152: {  	v4 =	vadd.s32 v4, v5;
	[tilespmem:$0x1A5D0] =	vst v6  }
0x153: {  	[tilespmem:$0x1A7D0] =	vst v4  }
0x154: {  	v4 =	vld [tilespmem:s0+$0xE0];
	_ =	sdelay $0x2  }
0x155: {  	v3 =	vor.u32 v1, v3  }
0x156: {  	v5 =	vor.u32 $0x1, v3  }
0x157: {  	v5 =	vsub.s32 v5, v4  }
0x158: {  	v3 =	vadd.s32 v3, v4;
	[tilespmem:$0x1A5E0] =	vst v5  }
0x159: {  	[tilespmem:$0x1A7E0] =	vst v3  }
0x15a: {  	v3 =	vld [tilespmem:s0+$0xF0];
	_ =	sdelay $0x2  }
0x15b: {  	v2 =	vor.u32 v1, v2  }
0x15c: {  	v4 =	vor.u32 $0x1, v2  }
0x15d: {  	v4 =	vsub.s32 v4, v3  }
0x15e: {  	s29 =	smov.u32 s4;
	v2 =	vadd.s32 v2, v3;
	[tilespmem:$0x1A5F0] =	vst v4  }
0x15f: {  	s30 =	rddreg [dreg:$0xb];
	p1 =	seq.s32 s29, $0x0;
	[tilespmem:$0x1A7F0] =	vst v2  }
0x160: {  	[hbm4b:s3+s17] =	stream.indirect.scatter [tilespmem:s15], [sflag:$0x8], $0x80, s30, s17, $0xb8;
	[tilespmem:$0x1A800] =	vst v63  }
0x161: {  	s31 =	rddreg [dreg:$0xc];
	s30 =	simm.s32 @!p1 $0x7  }
0x162: {  	[hbm4b:s3+s17] =	stream.indirect.scatter [tilespmem:s18], [sflag:$0xC], $0x80, s31, s17, $0xb8;
	[tilespmem:$0x1A800] =	vst v63  }
0x163: {  	_ =	swait.ge @!p1 [sflag:s30], $0x4000  }
0x164: {  	[sflag:s30] =	ssyncset.done @!p1 $0x0  }
0x165: {  	[sflag:s30] =	ssyncadd.s32 @!p1 $0xFFFFC000;
	s30 =	simm.s32 @!p1 $0xB  }
0x166: {  	_ =	swait.ge @!p1 [sflag:s30], $0x4000  }
0x167: {  	[sflag:s30] =	ssyncset.done @!p1 $0x0  }
0x168: {  	[sflag:s30] =	ssyncadd.s32 @!p1 $0xFFFFC000  }
0x169: {  	[tilespmem:s12], [sflag:$0x3] =	stream.linear.gather [hbm4b:s6+s13], $0x4000, $0x38;
	[tilespmem:$0x1A800] =	vst v63  }
0x16a: {  	s20 =	rddreg [dreg:$0x4];
	_ =	swait.ge [sflag:s14], $0x4000  }
0x16b: {  	[sflag:s14] =	ssyncset.done $0x0  }
0x16c: {  	s31 =	sadd.s32 s29, s20;
	[sflag:s14] =	ssyncadd.s32 $0xFFFFC000  }
0x16d: {  	s10 =	sadd.s32 $0x30, s31;
	v3 =	vld [tilespmem:s5+$0xFFFFFF00]  }
0x16e: {  	v2 =	vmov s31;
	s21 =	sadd.s32 $0x40, s31;
	v5 =	vmov s10  }
0x16f: {  	s11 =	sadd.s32 $0x50, s31;
	v2 =	vshll.u32 v2, $0x1;
	v30 =	vshll.u32 v5, $0x1;
	v5 =	vmov s21  }
0x170: {  	v2 =	vor.u32 v1, v2;
	v29 =	vshll.u32 v5, $0x1;
	v5 =	vmov s11  }
0x171: {  	v28 =	vshll.u32 v5, $0x1;
	v5 =	vor.u32 $0x1, v2  }
0x172: {  	v5 =	vsub.s32 v5, v3  }
0x173: {  	s30 =	sadd.s32 $0x10, s31;
	s28 =	sadd.s32 $0x80, s31;
	s11 =	sadd.s32 $0x90, s31;
	v2 =	vadd.s32 v2, v3;
	[tilespmem:$0x1A400] =	vst v5  }
0x174: {  	s1 =	sadd.s32 $0xB0, s31;
	v4 =	vmov s30;
	v7 =	vmov s28;
	v3 =	vmov s11;
	[tilespmem:$0x1A600] =	vst v2  }
0x175: {  	v4 =	vshll.u32 v4, $0x1;
	s14 =	sadd.s32 $0xC0, s31;
	v24 =	vshll.u32 v3, $0x1;
	v2 =	vmov s1;
	v3 =	vld [tilespmem:s5+$0xFFFFFF10]  }
0x176: {  	s13 =	sadd.s32 $0xA0, s31;
	s2 =	sadd.s32 $0xE0, s31;
	v4 =	vor.u32 v1, v4;
	v22 =	vshll.u32 v2, $0x1;
	v2 =	vmov s14  }
0x177: {  	s12 =	sadd.s32 $0xF0, s31;
	v5 =	vmov s13;
	v21 =	vshll.u32 v2, $0x1;
	v2 =	vmov s2  }
0x178: {  	s24 =	sadd.s32 $0xD0, s31;
	v23 =	vshll.u32 v5, $0x1;
	v19 =	vshll.u32 v2, $0x1;
	v2 =	vmov s12  }
0x179: {  	s28 =	sadd.s32 $0x100, s31;
	v5 =	vmov s24;
	v18 =	vshll.u32 v2, $0x1;
	v2 =	vor.u32 $0x1, v4  }
0x17a: {  	s15 =	sadd.s32 $0x110, s31;
	v20 =	vshll.u32 v5, $0x1;
	v5 =	vmov s28;
	v2 =	vsub.s32 v2, v3  }
0x17b: {  	s16 =	sadd.s32 $0x130, s31;
	s30 =	sadd.s32 $0x20, s31;
	v17 =	vshll.u32 v5, $0x1;
	v5 =	vmov s15;
	v3 =	vadd.s32 v4, v3;
	[tilespmem:$0x1A410] =	vst v2  }
0x17c: {  	s20 =	sadd.s32 $0x140, s31;
	s10 =	sadd.s32 $0x150, s31;
	v16 =	vshll.u32 v5, $0x1;
	v5 =	vmov s30;
	v2 =	vmov s16;
	[tilespmem:$0x1A610] =	vst v3  }
0x17d: {  	s11 =	sadd.s32 $0x160, s31;
	v4 =	vmov s20;
	v14 =	vshll.u32 v2, $0x1;
	v2 =	vmov s10;
	v3 =	vld [tilespmem:s5+$0xFFFFFF20]  }
0x17e: {  	s21 =	sadd.s32 $0x170, s31;
	v13 =	vshll.u32 v4, $0x1;
	v12 =	vshll.u32 v2, $0x1;
	v2 =	vmov s11  }
0x17f: {  	s1 =	sadd.s32 $0x180, s31;
	v4 =	vmov s21;
	v11 =	vshll.u32 v2, $0x1;
	v2 =	vshll.u32 v5, $0x1  }
0x180: {  	v10 =	vshll.u32 v4, $0x1;
	v4 =	vmov s1;
	v2 =	vor.u32 v1, v2  }
0x181: {  	v9 =	vshll.u32 v4, $0x1;
	v4 =	vor.u32 $0x1, v2  }
0x182: {  	v4 =	vsub.s32 v4, v3  }
0x183: {  	v2 =	vadd.s32 v2, v3;
	[tilespmem:$0x1A420] =	vst v4  }
0x184: {  	[tilespmem:$0x1A620] =	vst v2  }
0x185: {  	v31 =	vld [tilespmem:s5+$0xFFFFFF30];
	_ =	sdelay $0x2  }
0x186: {  	v30 =	vor.u32 v1, v30  }
0x187: {  	v32 =	vor.u32 $0x1, v30  }
0x188: {  	v32 =	vsub.s32 v32, v31  }
0x189: {  	v30 =	vadd.s32 v30, v31;
	[tilespmem:$0x1A430] =	vst v32  }
0x18a: {  	[tilespmem:$0x1A630] =	vst v30  }
0x18b: {  	v30 =	vld [tilespmem:s5+$0xFFFFFF40];
	_ =	sdelay $0x2  }
0x18c: {  	v29 =	vor.u32 v1, v29  }
0x18d: {  	v38 =	vor.u32 $0x1, v29  }
0x18e: {  	v31 =	vsub.s32 v38, v30  }
0x18f: {  	v29 =	vadd.s32 v29, v30;
	[tilespmem:$0x1A440] =	vst v31  }
0x190: {  	[tilespmem:$0x1A640] =	vst v29  }
0x191: {  	v29 =	vld [tilespmem:s5+$0xFFFFFF50];
	_ =	sdelay $0x2  }
0x192: {  	v28 =	vor.u32 v1, v28  }
0x193: {  	v39 =	vor.u32 $0x1, v28  }
0x194: {  	v30 =	vsub.s32 v39, v29  }
0x195: {  	v28 =	vadd.s32 v28, v29;
	[tilespmem:$0x1A450] =	vst v30  }
0x196: {  	[tilespmem:$0x1A650] =	vst v28  }
0x197: {  	s22 =	sadd.s32 $0x60, s31;
	v28 =	vld [tilespmem:s5+$0xFFFFFF60]  }
0x198: {  	v6 =	vmov s22  }
0x199: {  	v27 =	vshll.u32 v6, $0x1  }
0x19a: {  	v27 =	vor.u32 v1, v27  }
0x19b: {  	v40 =	vor.u32 $0x1, v27  }
0x19c: {  	v29 =	vsub.s32 v40, v28  }
0x19d: {  	v27 =	vadd.s32 v27, v28;
	[tilespmem:$0x1A460] =	vst v29  }
0x19e: {  	[tilespmem:$0x1A660] =	vst v27  }
0x19f: {  	s23 =	sadd.s32 $0x70, s31;
	v27 =	vld [tilespmem:s5+$0xFFFFFF70]  }
0x1a0: {  	v6 =	vmov s23  }
0x1a1: {  	v26 =	vshll.u32 v6, $0x1  }
0x1a2: {  	v26 =	vor.u32 v1, v26  }
0x1a3: {  	v41 =	vor.u32 $0x1, v26  }
0x1a4: {  	v28 =	vsub.s32 v41, v27  }
0x1a5: {  	s22 =	sadd.s32 $0x190, s31;
	s2 =	sadd.s32 $0x1E0, s31;
	v26 =	vadd.s32 v26, v27;
	[tilespmem:$0x1A470] =	vst v28  }
0x1a6: {  	s23 =	sadd.s32 $0x1A0, s31;
	s10 =	simm.s32 $0x6400;
	v2 =	vmov s2;
	s2 =	rddreg [dreg:$0x5];
	[tilespmem:$0x1A670] =	vst v26  }
0x1a7: {  	v5 =	vmov s22;
	[hbm4b:s3+s17] =	stream.indirect.scatter [tilespmem:s10], [sflag:$0x5], $0x80, s2, s17, $0xb8;
	[tilespmem:$0x1A800] =	vst v63  }
0x1a8: {  	s1 =	simm.s32 @!p1 $0x8;
	v8 =	vshll.u32 v5, $0x1;
	v5 =	vmov s23;
	s23 =	rddreg [dreg:$0x6]  }
0x1a9: {  	[hbm4b:s3+s17] =	stream.indirect.scatter [tilespmem:s18], [sflag:$0x9], $0x80, s23, s17, $0xb8;
	[tilespmem:$0x1A800] =	vst v63  }
0x1aa: {  	_ =	swait.ge @!p1 [sflag:s1], $0x4000  }
0x1ab: {  	[sflag:s1] =	ssyncset.done @!p1 $0x0  }
0x1ac: {  	s19 =	sadd.s32 $0x120, s31;
	[sflag:s1] =	ssyncadd.s32 @!p1 $0xFFFFC000;
	s1 =	simm.s32 @!p1 $0xC  }
0x1ad: {  	v6 =	vmov s19;
	s13 =	sadd.s32 $0x1B0, s31;
	_ =	swait.ge @!p1 [sflag:s1], $0x4000  }
0x1ae: {  	v15 =	vshll.u32 v6, $0x1;
	v6 =	vmov s13;
	s13 =	simm.s32 $0x0;
	[sflag:s1] =	ssyncset.done @!p1 $0x0  }
0x1af: {  	s15 =	simm.s32 $0x12400;
	s16 =	simm.s32 $0x2;
	[sflag:s1] =	ssyncadd.s32 @!p1 $0xFFFFC000  }
0x1b0: {  	[tilespmem:s15], [sflag:$0x4] =	stream.linear.gather [hbm4b:s7+s13], $0x4000, $0x38;
	[tilespmem:$0x1A800] =	vst v63  }
0x1b1: {  	_ =	swait.ge [sflag:s16], $0x4000  }
0x1b2: {  	[sflag:s16] =	ssyncset.done $0x0  }
0x1b3: {  	[sflag:s16] =	ssyncadd.s32 $0xFFFFC000  }
0x1b4: {  	v42 =	vld [tilespmem:s5+$0xFFFFFF80];
	_ =	sdelay $0x1  }
0x1b5: {  	v25 =	vshll.u32 v7, $0x1  }
0x1b6: {  	v25 =	vor.u32 v1, v25  }
0x1b7: {  	v43 =	vor.u32 $0x1, v25  }
0x1b8: {  	v27 =	vsub.s32 v43, v42  }
0x1b9: {  	v25 =	vadd.s32 v25, v42;
	[tilespmem:$0x1A480] =	vst v27  }
0x1ba: {  	[tilespmem:$0x1A680] =	vst v25  }
0x1bb: {  	v25 =	vld [tilespmem:s5+$0xFFFFFF90];
	_ =	sdelay $0x2  }
0x1bc: {  	v24 =	vor.u32 v1, v24  }
0x1bd: {  	v44 =	vor.u32 $0x1, v24  }
0x1be: {  	v26 =	vsub.s32 v44, v25  }
0x1bf: {  	v24 =	vadd.s32 v24, v25;
	[tilespmem:$0x1A490] =	vst v26  }
0x1c0: {  	[tilespmem:$0x1A690] =	vst v24  }
0x1c1: {  	v24 =	vld [tilespmem:s5+$0xFFFFFFA0];
	_ =	sdelay $0x2  }
0x1c2: {  	v23 =	vor.u32 v1, v23  }
0x1c3: {  	v45 =	vor.u32 $0x1, v23  }
0x1c4: {  	v25 =	vsub.s32 v45, v24  }
0x1c5: {  	v23 =	vadd.s32 v23, v24;
	[tilespmem:$0x1A4A0] =	vst v25  }
0x1c6: {  	[tilespmem:$0x1A6A0] =	vst v23  }
0x1c7: {  	v23 =	vld [tilespmem:s5+$0xFFFFFFB0];
	_ =	sdelay $0x2  }
0x1c8: {  	v22 =	vor.u32 v1, v22  }
0x1c9: {  	v46 =	vor.u32 $0x1, v22  }
0x1ca: {  	v24 =	vsub.s32 v46, v23  }
0x1cb: {  	v22 =	vadd.s32 v22, v23;
	[tilespmem:$0x1A4B0] =	vst v24  }
0x1cc: {  	[tilespmem:$0x1A6B0] =	vst v22  }
0x1cd: {  	v22 =	vld [tilespmem:s5+$0xFFFFFFC0];
	_ =	sdelay $0x2  }
0x1ce: {  	v21 =	vor.u32 v1, v21  }
0x1cf: {  	v47 =	vor.u32 $0x1, v21  }
0x1d0: {  	v23 =	vsub.s32 v47, v22  }
0x1d1: {  	v21 =	vadd.s32 v21, v22;
	[tilespmem:$0x1A4C0] =	vst v23  }
0x1d2: {  	[tilespmem:$0x1A6C0] =	vst v21  }
0x1d3: {  	v21 =	vld [tilespmem:s5+$0xFFFFFFD0];
	_ =	sdelay $0x2  }
0x1d4: {  	v20 =	vor.u32 v1, v20  }
0x1d5: {  	v48 =	vor.u32 $0x1, v20  }
0x1d6: {  	v22 =	vsub.s32 v48, v21  }
0x1d7: {  	v20 =	vadd.s32 v20, v21;
	[tilespmem:$0x1A4D0] =	vst v22  }
0x1d8: {  	[tilespmem:$0x1A6D0] =	vst v20  }
0x1d9: {  	v20 =	vld [tilespmem:s5+$0xFFFFFFE0];
	_ =	sdelay $0x2  }
0x1da: {  	v19 =	vor.u32 v1, v19  }
0x1db: {  	v49 =	vor.u32 $0x1, v19  }
0x1dc: {  	v21 =	vsub.s32 v49, v20  }
0x1dd: {  	v19 =	vadd.s32 v19, v20;
	[tilespmem:$0x1A4E0] =	vst v21  }
0x1de: {  	[tilespmem:$0x1A6E0] =	vst v19  }
0x1df: {  	v19 =	vld [tilespmem:s5+$0xFFFFFFF0];
	_ =	sdelay $0x2  }
0x1e0: {  	v18 =	vor.u32 v1, v18  }
0x1e1: {  	v50 =	vor.u32 $0x1, v18  }
0x1e2: {  	v20 =	vsub.s32 v50, v19  }
0x1e3: {  	s24 =	sadd.s32 $0x1D0, s31;
	v18 =	vadd.s32 v18, v19;
	[tilespmem:$0x1A4F0] =	vst v20  }
0x1e4: {  	s11 =	simm.s32 $0xA400;
	v4 =	vmov s24;
	s24 =	rddreg [dreg:$0x7];
	[tilespmem:$0x1A6F0] =	vst v18  }
0x1e5: {  	[hbm4b:s3+s17] =	stream.indirect.scatter [tilespmem:s11], [sflag:$0x6], $0x80, s24, s17, $0xb8;
	[tilespmem:$0x1A800] =	vst v63  }
0x1e6: {  	s19 =	simm.s32 $0x5;
	s28 =	rddreg [dreg:$0x8]  }
0x1e7: {  	[hbm4b:s3+s17] =	stream.indirect.scatter [tilespmem:s18], [sflag:$0xA], $0x80, s28, s17, $0xb8;
	[tilespmem:$0x1A800] =	vst v63  }
0x1e8: {  	_ =	swait.ge [sflag:s19], $0x4000  }
0x1e9: {  	[sflag:s19] =	ssyncset.done $0x0  }
0x1ea: {  	s20 =	simm.s32 $0x9;
	[sflag:s19] =	ssyncadd.s32 $0xFFFFC000  }
0x1eb: {  	s9 =	sadd.s32 $0x2000, s9;
	_ =	swait.ge [sflag:s20], $0x4000  }
0x1ec: {  	s21 =	simm.s32 $0x3;
	p1 =	seq.s32 s29, $0x6200;
	[sflag:s20] =	ssyncset.done $0x0  }
0x1ed: {  	s29 =	simm.s32 @!p1 $0x0;
	s1 =	simm.s32 @!p1 $0x6400;
	[sflag:s20] =	ssyncadd.s32 $0xFFFFC000  }
0x1ee: {  	[tilespmem:s1], [sflag:$0x1] =	stream.linear.gather @!p1 [hbm4b:s9+s29], $0x4000, $0x38;
	[tilespmem:$0x1A800] =	vst v63  }
0x1ef: {  	_ =	swait.ge [sflag:s21], $0x4000  }
0x1f0: {  	[sflag:s21] =	ssyncset.done $0x0  }
0x1f1: {  	[sflag:s21] =	ssyncadd.s32 $0xFFFFC000  }
0x1f2: {  	v51 =	vld [tilespmem:s5+$0x0];
	_ =	sdelay $0x2  }
0x1f3: {  	v17 =	vor.u32 v1, v17  }
0x1f4: {  	v52 =	vor.u32 $0x1, v17  }
0x1f5: {  	v19 =	vsub.s32 v52, v51  }
0x1f6: {  	v17 =	vadd.s32 v17, v51;
	[tilespmem:$0x1A500] =	vst v19  }
0x1f7: {  	[tilespmem:$0x1A700] =	vst v17  }
0x1f8: {  	v17 =	vld [tilespmem:s5+$0x10];
	_ =	sdelay $0x2  }
0x1f9: {  	v16 =	vor.u32 v1, v16  }
0x1fa: {  	v53 =	vor.u32 $0x1, v16  }
0x1fb: {  	v18 =	vsub.s32 v53, v17  }
0x1fc: {  	v16 =	vadd.s32 v16, v17;
	[tilespmem:$0x1A510] =	vst v18  }
0x1fd: {  	[tilespmem:$0x1A710] =	vst v16  }
0x1fe: {  	v16 =	vld [tilespmem:s5+$0x20];
	_ =	sdelay $0x2  }
0x1ff: {  	v15 =	vor.u32 v1, v15  }
0x200: {  	v54 =	vor.u32 $0x1, v15  }
0x201: {  	v17 =	vsub.s32 v54, v16  }
0x202: {  	v15 =	vadd.s32 v15, v16;
	[tilespmem:$0x1A520] =	vst v17  }
0x203: {  	[tilespmem:$0x1A720] =	vst v15  }
0x204: {  	v15 =	vld [tilespmem:s5+$0x30];
	_ =	sdelay $0x2  }
0x205: {  	v14 =	vor.u32 v1, v14  }
0x206: {  	v55 =	vor.u32 $0x1, v14  }
0x207: {  	v16 =	vsub.s32 v55, v15  }
0x208: {  	v14 =	vadd.s32 v14, v15;
	[tilespmem:$0x1A530] =	vst v16  }
0x209: {  	[tilespmem:$0x1A730] =	vst v14  }
0x20a: {  	v14 =	vld [tilespmem:s5+$0x40];
	_ =	sdelay $0x2  }
0x20b: {  	v13 =	vor.u32 v1, v13  }
0x20c: {  	v56 =	vor.u32 $0x1, v13  }
0x20d: {  	v15 =	vsub.s32 v56, v14  }
0x20e: {  	v13 =	vadd.s32 v13, v14;
	[tilespmem:$0x1A540] =	vst v15  }
0x20f: {  	[tilespmem:$0x1A740] =	vst v13  }
0x210: {  	v13 =	vld [tilespmem:s5+$0x50];
	_ =	sdelay $0x2  }
0x211: {  	v12 =	vor.u32 v1, v12  }
0x212: {  	v57 =	vor.u32 $0x1, v12  }
0x213: {  	v14 =	vsub.s32 v57, v13  }
0x214: {  	v12 =	vadd.s32 v12, v13;
	[tilespmem:$0x1A550] =	vst v14  }
0x215: {  	[tilespmem:$0x1A750] =	vst v12  }
0x216: {  	v12 =	vld [tilespmem:s5+$0x60];
	_ =	sdelay $0x2  }
0x217: {  	v11 =	vor.u32 v1, v11  }
0x218: {  	v58 =	vor.u32 $0x1, v11  }
0x219: {  	v13 =	vsub.s32 v58, v12  }
0x21a: {  	v11 =	vadd.s32 v11, v12;
	[tilespmem:$0x1A560] =	vst v13  }
0x21b: {  	[tilespmem:$0x1A760] =	vst v11  }
0x21c: {  	v11 =	vld [tilespmem:s5+$0x70];
	_ =	sdelay $0x2  }
0x21d: {  	v10 =	vor.u32 v1, v10  }
0x21e: {  	v59 =	vor.u32 $0x1, v10  }
0x21f: {  	v12 =	vsub.s32 v59, v11  }
0x220: {  	s14 =	sadd.s32 $0x1C0, s31;
	v10 =	vadd.s32 v10, v11;
	[tilespmem:$0x1A570] =	vst v12  }
0x221: {  	s31 =	sadd.s32 $0x1F0, s31;
	s12 =	simm.s32 $0xE400;
	s30 =	rddreg [dreg:$0x9];
	[tilespmem:$0x1A770] =	vst v10  }
0x222: {  	v7 =	vshll.u32 v5, $0x1;
	v3 =	vmov s14;
	[hbm4b:s3+s17] =	stream.indirect.scatter [tilespmem:s12], [sflag:$0x7], $0x80, s30, s17, $0xb8;
	[tilespmem:$0x1A800] =	vst v63  }
0x223: {  	s22 =	simm.s32 $0x6;
	v5 =	vshll.u32 v3, $0x1;
	v3 =	vshll.u32 v2, $0x1;
	v2 =	vmov s31;
	s31 =	rddreg [dreg:$0xa]  }
0x224: {  	[hbm4b:s3+s17] =	stream.indirect.scatter [tilespmem:s18], [sflag:$0xB], $0x80, s31, s17, $0xb8;
	[tilespmem:$0x1A800] =	vst v63  }
0x225: {  	_ =	swait.ge [sflag:s22], $0x4000  }
0x226: {  	[sflag:s22] =	ssyncset.done $0x0  }
0x227: {  	[sflag:s22] =	ssyncadd.s32 $0xFFFFC000  }
0x228: {  	_ =	swait.ge [sflag:s25], $0x4000  }
0x229: {  	[sflag:s25] =	ssyncset.done $0x0  }
0x22a: {  	s8 =	sadd.s32 $0x2000, s8;
	s1 =	simm.s32 @!p1 $0xA400;
	[sflag:s25] =	ssyncadd.s32 $0xFFFFC000  }
0x22b: {  	[tilespmem:s1], [sflag:$0x2] =	stream.linear.gather @!p1 [hbm4b:s8+s29], $0x4000, $0x38;
	[tilespmem:$0x1A800] =	vst v63  }
0x22c: {  	_ =	swait.ge [sflag:s26], $0x4000  }
0x22d: {  	[sflag:s26] =	ssyncset.done $0x0  }
0x22e: {  	[sflag:s26] =	ssyncadd.s32 $0xFFFFC000  }
0x22f: {  	v60 =	vld [tilespmem:s5+$0x80];
	_ =	sdelay $0x2  }
0x230: {  	v9 =	vor.u32 v1, v9  }
0x231: {  	v61 =	vor.u32 $0x1, v9  }
0x232: {  	v11 =	vsub.s32 v61, v60  }
0x233: {  	v9 =	vadd.s32 v9, v60;
	[tilespmem:$0x1A580] =	vst v11  }
0x234: {  	[tilespmem:$0x1A780] =	vst v9  }
0x235: {  	v9 =	vld [tilespmem:s5+$0x90];
	_ =	sdelay $0x2  }
0x236: {  	v8 =	vor.u32 v1, v8  }
0x237: {  	v62 =	vor.u32 $0x1, v8  }
0x238: {  	v10 =	vsub.s32 v62, v9  }
0x239: {  	v8 =	vadd.s32 v8, v9;
	[tilespmem:$0x1A590] =	vst v10  }
0x23a: {  	[tilespmem:$0x1A790] =	vst v8  }
0x23b: {  	v8 =	vld [tilespmem:s5+$0xA0];
	_ =	sdelay $0x2  }
0x23c: {  	v7 =	vor.u32 v1, v7  }
0x23d: {  	v63 =	vor.u32 $0x1, v7  }
0x23e: {  	v9 =	vsub.s32 v63, v8  }
0x23f: {  	v7 =	vadd.s32 v7, v8;
	[tilespmem:$0x1A5A0] =	vst v9  }
0x240: {  	[tilespmem:$0x1A7A0] =	vst v7  }
0x241: {  	v7 =	vld [tilespmem:s5+$0xB0];
	_ =	sdelay $0x1  }
0x242: {  	s4 =	sadd.s32 $0x200, s4;
	v6 =	vshll.u32 v6, $0x1  }
0x243: {  	p0 =	sne.s32 s4, $0x6400;
	v6 =	vor.u32 v1, v6  }
.Ltmp1:
0x244: {  	v8 =	vor.u32 $0x1, v6;
	(pc) =	sbr.rel @p0 .LBB2_4-.Ltmp1, $4  }
0x245: {  	v8 =	vsub.s32 v8, v7  }
0x246: {  	v6 =	vadd.s32 v6, v7;
	[tilespmem:$0x1A5B0] =	vst v8  }
0x247: {  	s0 =	smov.u32 s5;
	s6 =	sadd.s32 $0x2000, s6;
	[tilespmem:$0x1A7B0] =	vst v6  }
0x248: {  	s14 =	simm.s32 $0x1;
	v4 =	vshll.u32 v4, $0x1;
	v2 =	vshll.u32 v2, $0x1;
	s7 =	sadd.s32 $0x2000, s7;
	s5 =	sadd.s32 $0x200, s5;
	v6 =	vld [tilespmem:s0+$0xC0]  }
0x249: {  	_ =	sdelay $0x1  }
0x24a: {  	v5 =	vor.u32 v1, v5  }
0x24b: {  	v7 =	vor.u32 $0x1, v5  }
0x24c: {  	v7 =	vsub.s32 v7, v6  }
0x24d: {  	v5 =	vadd.s32 v5, v6;
	[tilespmem:$0x1A5C0] =	vst v7  }
0x24e: {  	[tilespmem:$0x1A7C0] =	vst v5  }
0x24f: {  	v5 =	vld [tilespmem:s0+$0xD0];
	_ =	sdelay $0x2  }
0x250: {  	v4 =	vor.u32 v1, v4  }
0x251: {  	v61 =	vor.u32 $0x1, v4  }
0x252: {  	v6 =	vsub.s32 v61, v5  }
0x253: {  	v4 =	vadd.s32 v4, v5;
	[tilespmem:$0x1A5D0] =	vst v6  }
0x254: {  	[tilespmem:$0x1A7D0] =	vst v4  }
0x255: {  	v4 =	vld [tilespmem:s0+$0xE0];
	_ =	sdelay $0x2  }
0x256: {  	v3 =	vor.u32 v1, v3  }
0x257: {  	v62 =	vor.u32 $0x1, v3  }
0x258: {  	v5 =	vsub.s32 v62, v4  }
0x259: {  	v3 =	vadd.s32 v3, v4;
	[tilespmem:$0x1A5E0] =	vst v5  }
0x25a: {  	[tilespmem:$0x1A7E0] =	vst v3  }
0x25b: {  	v3 =	vld [tilespmem:s0+$0xF0];
	_ =	sdelay $0x2  }
0x25c: {  	v2 =	vor.u32 v1, v2  }
0x25d: {  	v63 =	vor.u32 $0x1, v2  }
0x25e: {  	v4 =	vsub.s32 v63, v3  }
0x25f: {  	v2 =	vadd.s32 v2, v3;
	[tilespmem:$0x1A5F0] =	vst v4  }
0x260: {  	s23 =	rddreg [dreg:$0xb];
	[tilespmem:$0x1A7F0] =	vst v2  }
0x261: {  	[hbm4b:s3+s17] =	stream.indirect.scatter [tilespmem:s15], [sflag:$0x8], $0x80, s23, s17, $0xb8;
	[tilespmem:$0x1A800] =	vst v63  }
0x262: {  	s1 =	rddreg [dreg:$0xc];
	s24 =	simm.s32 $0x7  }
0x263: {  	[hbm4b:s3+s17] =	stream.indirect.scatter [tilespmem:s18], [sflag:$0xC], $0x80, s1, s17, $0xb8;
	[tilespmem:$0x1A800] =	vst v63  }
0x264: {  	_ =	swait.ge [sflag:s24], $0x4000  }
0x265: {  	[sflag:s24] =	ssyncset.done $0x0  }
0x266: {  	s28 =	simm.s32 $0xB;
	[sflag:s24] =	ssyncadd.s32 $0xFFFFC000  }
0x267: {  	_ =	swait.ge [sflag:s28], $0x4000  }
0x268: {  	[sflag:s28] =	ssyncset.done $0x0  }
0x269: {  	s29 =	simm.s32 $0x8;
	[sflag:s28] =	ssyncadd.s32 $0xFFFFC000  }
0x26a: {  	_ =	swait.ge [sflag:s29], $0x4000  }
0x26b: {  	[sflag:s29] =	ssyncset.done $0x0  }
0x26c: {  	s30 =	simm.s32 $0xC;
	[sflag:s29] =	ssyncadd.s32 $0xFFFFC000  }
0x26d: {  	_ =	swait.ge [sflag:s30], $0x4000  }
0x26e: {  	s2 =	rddreg [dreg:$0x15]  }
0x26f: {  	s31 =	rddreg [dreg:$0x10];
	s2 =	sadd.s32 $0x1, s2  }
0x270: {  	p0 =	sne.s32 s2, s31  }
.Ltmp2:
0x271: {  	_ = 	snop;
	(pc) =	sbr.rel @p0 .LBB2_1-.Ltmp2, $3  }
0x272: {  	_ =	sdelay $0x1  }
0x273: {  	[sflag:s30] =	ssyncset.done $0x0  }
0x274: {  	[sflag:s30] =	ssyncadd.s32 $0xFFFFC000  }
0x275: {  	_ =	sfence.sel $0x180000  }
0x276: {  	[bflag:$0x0] =	sbarrier.arrive $0xFFFF  }
0x277: {  	_ =	strace $0x90000047  }
0x278: {  	s0 =	stileid.u32;
	[bflag:$0x2] =	sbarrier.arrive $0xFFFF  }
0x279: {  	p0 =	sne.s32 s0, $0x0;
	s0 =	rddreg [dreg:$0x3]  }
0x27a: {  	s0 =	sadd.s32 @!p0 $0x100000, s0  }
0x27b: {  	[sflag:s0] =	ssyncadd.tile.s32 @!p0 $0x1;
	_ =	shalt  }
.Lfunc_end2:
_tile_overlayer_lowered:
.L_overlay_start_2:
0x27c: {  	(tag) =	ssettag $0x2  }
0x27d: {  	s0 =	rddreg [dreg:$0x0];
	s2 =	stileid.u32  }
0x27e: {  	s1 =	rddreg [dreg:$0x1];
	p0 =	sne.s32 s2, $0x0  }
0x27f: {  	s3 =	rddreg [dreg:$0x2];
	[bflag:$0x3] =	sbarrier.arrive $0xFFFF;
	s2 =	simm.s32 @!p0 $0x1C0D  }
0x280: {  	[timem:s3], [sflag:s2] =	dma.local @!p0 [hbm:s0], s1  }
0x281: {  	s0 =	simm.s32 @!p0 $0xD  }
0x282: {  	_ =	swait.ge @!p0 [sflag:s0], s1  }
0x283: {  	s1 =	ssub.s32 @!p0 $0x0, s1;
	[sflag:s0] =	ssyncset.done @!p0 $0x0  }
0x284: {  	[sflag:s0] =	ssyncadd.s32 @!p0 s1  }
0x285: {  	[bflag:$0x3] =	sbarrier.arrive $0xFFFF  }
0x286: {  	_ =	shalt  }

</sc_bundles>
